<compile_context>
chip_gen: v7x
topology: tpu7x:2x2x1
jax: 0.10.2.dev20260603
libtpu: 0.0.44.dev20260713+nightly
codegen_flags: <defaults>
</compile_context>

<pallas_src>
import jax
import jax.numpy as jnp
from jax import lax
from jax.experimental import pallas as pl
from jax.experimental.pallas import tpu as pltpu
from jax.experimental.pallas import tpu_sc as plsc

N = 10000
D = 128
E = 320000
NC = 2
NS = 16
TILES = NC * NS
CHUNK = 128
GROUP = 8
E_PAD = 327680
NCHUNK = E_PAD // TILES // CHUNK
NGROUP = NCHUNK // GROUP
NPAD = 10240
RZ = NPAD // NS


def _gs_group(xr, acc, srcv, dstv, rows_a, rows_b, sem_a, sem_b):
    bufs = [(rows_a, sem_a), (rows_b, sem_b)]

    def cp(j):
        buf, sem = bufs[j % 2]
        return pltpu.make_async_copy(xr.at[srcv.at[j]], buf, sem)

    cp(0).start()
    for j in range(GROUP):
        cp(j).wait()
        if j + 1 < GROUP:
            cp(j + 1).start()
        pltpu.sync_copy(bufs[j % 2][0], acc.at[dstv.at[j]], add=True)


def _sum_phase(xr, srcr, dstr, acc, wid, srcv, dstv, rows_a, rows_b,
               sem_a, sem_b):
    def group(g, carry):
        pltpu.sync_copy(srcr.at[wid, pl.ds(g * GROUP, GROUP)], srcv)
        pltpu.sync_copy(dstr.at[wid, pl.ds(g * GROUP, GROUP)], dstv)
        _gs_group(xr, acc, srcv, dstv, rows_a, rows_b, sem_a, sem_b)
        return carry

    lax.fori_loop(0, NGROUP, group, 0)


def _agg1_body(xr, srcr, dstr, zr, onesr,
               out_s, out_c,
               acc, srcv, dstv, rows_a, rows_b, sem_a, sem_b):
    c = lax.axis_index("c")
    s = lax.axis_index("s")
    wid = s * NC + c

    pltpu.sync_copy(zr, acc.at[pl.ds(s * RZ, RZ)])
    plsc.subcore_barrier()
    _sum_phase(xr, srcr, dstr, acc, wid, srcv, dstv, rows_a, rows_b,
               sem_a, sem_b)
    plsc.subcore_barrier()
    pltpu.sync_copy(acc.at[pl.ds(s * RZ, RZ)], out_s.at[c, pl.ds(s * RZ, RZ)])

    pltpu.sync_copy(zr, acc.at[pl.ds(s * RZ, RZ)])
    plsc.subcore_barrier()
    pltpu.sync_copy(onesr, rows_a)

    def group(g, carry):
        pltpu.sync_copy(dstr.at[wid, pl.ds(g * GROUP, GROUP)], dstv)

        def chunk(j, carry2):
            pltpu.sync_copy(rows_a, acc.at[dstv.at[j]], add=True)
            return carry2

        lax.fori_loop(0, GROUP, chunk, 0)
        return carry

    lax.fori_loop(0, NGROUP, group, 0)
    plsc.subcore_barrier()
    pltpu.sync_copy(acc.at[pl.ds(s * RZ, RZ)], out_c.at[c, pl.ds(s * RZ, RZ)])


def _agg2_body(xr, srcr, dstr, zr,
               out_s,
               acc, srcv, dstv, rows_a, rows_b, sem_a, sem_b):
    c = lax.axis_index("c")
    s = lax.axis_index("s")
    wid = s * NC + c
    pltpu.sync_copy(zr, acc.at[pl.ds(s * RZ, RZ)])
    plsc.subcore_barrier()
    _sum_phase(xr, srcr, dstr, acc, wid, srcv, dstv, rows_a, rows_b,
               sem_a, sem_b)
    plsc.subcore_barrier()
    pltpu.sync_copy(acc.at[pl.ds(s * RZ, RZ)], out_s.at[c, pl.ds(s * RZ, RZ)])


import functools


@functools.lru_cache(maxsize=None)
def _make_aggs():
    mesh = plsc.VectorSubcoreMesh(core_axis_name="c", subcore_axis_name="s",
                                  num_cores=NC, num_subcores=NS)
    scratch = [pltpu.VMEM_SHARED((NPAD, D), jnp.float32),
               pltpu.VMEM((GROUP, CHUNK), jnp.int32),
               pltpu.VMEM((GROUP, CHUNK), jnp.int32),
               pltpu.VMEM((CHUNK, D), jnp.float32),
               pltpu.VMEM((CHUNK, D), jnp.float32),
               pltpu.SemaphoreType.DMA,
               pltpu.SemaphoreType.DMA]
    agg1 = pl.kernel(
        _agg1_body,
        out_type=[jax.ShapeDtypeStruct((NC, NPAD, D), jnp.float32),
                  jax.ShapeDtypeStruct((NC, NPAD, D), jnp.float32)],
        mesh=mesh,
        scratch_types=list(scratch))
    agg2 = pl.kernel(
        _agg2_body,
        out_type=[jax.ShapeDtypeStruct((NC, NPAD, D), jnp.float32)],
        mesh=mesh,
        scratch_types=list(scratch))
    return agg1, agg2


_BLK = 1000
_GRID = N // _BLK


def _stage1_body(p_ref, c_ref, x_ref, wl_ref, b_ref, wr_ref, o_ref):
    ssum = p_ref[0] + p_ref[1]
    cnt = (c_ref[0] + c_ref[1])[:, 0:1]
    mean = ssum / jnp.maximum(cnt, 1.0)
    h = (jnp.dot(mean, wl_ref[...], preferred_element_type=jnp.float32)
         + b_ref[...]
         + jnp.dot(x_ref[...], wr_ref[...], preferred_element_type=jnp.float32))
    o_ref[...] = jnp.maximum(h, 0.0)


def _stage2_body(p_ref, c_ref, h_ref, wl2_ref, b2_ref, wr2_ref,
                 wl3_ref, b3_ref, wr3_ref, eps_ref, o_ref):
    ssum = p_ref[0] + p_ref[1]
    cnt = (c_ref[0] + c_ref[1])[:, 0:1]
    mean = ssum / jnp.maximum(cnt, 1.0)
    h = h_ref[...]
    mu = (jnp.dot(mean, wl2_ref[...], preferred_element_type=jnp.float32)
          + b2_ref[...]
          + jnp.dot(h, wr2_ref[...], preferred_element_type=jnp.float32))
    ls = (jnp.dot(mean, wl3_ref[...], preferred_element_type=jnp.float32)
          + b3_ref[...]
          + jnp.dot(h, wr3_ref[...], preferred_element_type=jnp.float32))
    ls = jnp.minimum(ls, 10.0)
    o_ref[...] = mu + eps_ref[...] * jnp.exp(ls)


def _row_spec():
    return pl.BlockSpec((_BLK, D), lambda i: (i, 0))


def _part_spec():
    return pl.BlockSpec((NC, _BLK, D), lambda i: (0, i, 0))


def _full_spec(shape):
    return pl.BlockSpec(shape, lambda i: tuple(0 for _ in shape))


_stage1 = pl.pallas_call(
    _stage1_body,
    grid=(_GRID,),
    in_specs=[_part_spec(), _part_spec(),
              _row_spec(), _full_spec((D, D)), _full_spec((1, D)),
              _full_spec((D, D))],
    out_specs=_row_spec(),
    out_shape=jax.ShapeDtypeStruct((N, D), jnp.float32),
)

_stage2 = pl.pallas_call(
    _stage2_body,
    grid=(_GRID,),
    in_specs=[_part_spec(), _part_spec(),
              _row_spec(), _full_spec((D, D)), _full_spec((1, D)),
              _full_spec((D, D)), _full_spec((D, D)), _full_spec((1, D)),
              _full_spec((D, D)), _row_spec()],
    out_specs=_row_spec(),
    out_shape=jax.ShapeDtypeStruct((N, D), jnp.float32),
)


@jax.jit
def kernel(x, edge_index, edge_weight, Wl1, bl1, Wr1, Wl2, bl2, Wr2, Wl3, bl3, Wr3):
    src = edge_index[0]
    dst = edge_index[1]
    pad = E_PAD - E
    src_flat = jnp.concatenate([src, jnp.zeros((pad,), jnp.int32)])
    dst_flat = jnp.concatenate([dst, jnp.full((pad,), N, jnp.int32)])
    src2 = src_flat.reshape(TILES, NCHUNK, CHUNK)
    dst2 = dst_flat.reshape(TILES, NCHUNK, CHUNK)
    zr = jnp.zeros((RZ, D), jnp.float32)
    onesr = jnp.ones((CHUNK, D), jnp.float32)

    agg1, agg2 = _make_aggs()
    sums1, cnts = agg1(x, src2, dst2, zr, onesr)
    h = _stage1(sums1, cnts, x, Wl1.T, bl1.reshape(1, D), Wr1.T)
    (sums2,) = agg2(h, src2, dst2, zr)
    eps = jax.random.normal(jax.random.key(42), (N, D), dtype=jnp.float32)
    z = _stage2(sums2, cnts, h, Wl2.T, bl2.reshape(1, D), Wr2.T,
                Wl3.T, bl3.reshape(1, D), Wr3.T, eps)
    return z

# --- scband reference (transcript-rebuilt; emitter-appended) ---
"""Pipeline reference for scband-graph-vae-88064009437413 (READ-ONLY COPY).

The authoritative reference and input builder live on the scoring server;
editing this copy changes nothing except your own understanding.
"""

import jax, jax.numpy as jnp
import numpy as np

N = 10000
E = 320000
DIN = 128
DOUT = 128


def setup_inputs(seed: int = 0) -> dict:
    key = jax.random.key(seed)
    ks = jax.random.split(key, 16)
    x = jax.random.normal(ks[0], (N, DIN), dtype=jnp.float32)
    edge_index = jax.random.randint(ks[1], (2, E), 0, N, dtype=jnp.int32)
    edge_weight = jax.random.uniform(ks[2], (E,), dtype=jnp.float32)
    # SAGEConv params: lin_l (with bias) applied to aggregated neighbors, lin_r (no bias) applied to root
    Wl1 = jax.random.normal(ks[3], (DOUT, DIN), dtype=jnp.float32) * 0.05
    bl1 = jax.random.normal(ks[4], (DOUT,), dtype=jnp.float32) * 0.05
    Wr1 = jax.random.normal(ks[5], (DOUT, DIN), dtype=jnp.float32) * 0.05
    Wl2 = jax.random.normal(ks[6], (DOUT, DOUT), dtype=jnp.float32) * 0.05
    bl2 = jax.random.normal(ks[7], (DOUT,), dtype=jnp.float32) * 0.05
    Wr2 = jax.random.normal(ks[8], (DOUT, DOUT), dtype=jnp.float32) * 0.05
    Wl3 = jax.random.normal(ks[9], (DOUT, DOUT), dtype=jnp.float32) * 0.05
    bl3 = jax.random.normal(ks[10], (DOUT,), dtype=jnp.float32) * 0.05
    Wr3 = jax.random.normal(ks[11], (DOUT, DOUT), dtype=jnp.float32) * 0.05
    return {"x": x, "edge_index": edge_index, "edge_weight": edge_weight,
            "Wl1": Wl1, "bl1": bl1, "Wr1": Wr1,
            "Wl2": Wl2, "bl2": bl2, "Wr2": Wr2,
            "Wl3": Wl3, "bl3": bl3, "Wr3": Wr3}


def _sage_conv(x, edge_index, Wl, bl, Wr):
    # PyG SAGEConv with mean aggregation: out = lin_l(mean_j x_j) + lin_r(x_i)
    src = edge_index[0]
    dst = edge_index[1]
    msgs = jnp.take(x, src, axis=0)                      # gather [E, d]
    summed = jax.ops.segment_sum(msgs, dst, num_segments=N)
    cnt = jax.ops.segment_sum(jnp.ones((msgs.shape[0],), dtype=x.dtype), dst, num_segments=N)
    mean = summed / jnp.clip(cnt, 1.0, None)[:, None]
    return mean @ Wl.T + bl + x @ Wr.T


def reference(x, edge_index, edge_weight, Wl1, bl1, Wr1, Wl2, bl2, Wr2, Wl3, bl3, Wr3):
    # GraphEncoder: sage -> relu -> (mu, logstd)
    h = jax.nn.relu(_sage_conv(x, edge_index, Wl1, bl1, Wr1))
    mu = _sage_conv(h, edge_index, Wl2, bl2, Wr2)
    logstd = _sage_conv(h, edge_index, Wl3, bl3, Wr3)
    # VGAE.encode: clamp logstd then reparametrize (training mode, deterministic eps)
    logstd = jnp.minimum(logstd, 10.0)
    eps = jax.random.normal(jax.random.key(42), mu.shape, dtype=jnp.float32)
    z = mu + eps * jnp.exp(logstd)
    return z

if __name__ == "__main__":
    import jax
    _d = setup_inputs()
    print(jax.jit(kernel)(*tuple(_d.values())))

</pallas_src>

<mosaic_0001>
#map = affine_map<(d0, d1) -> (0, 0)>
#map1 = affine_map<(d0, d1) -> (0, 0, 0)>
module attributes {stable_mosaic.version = 14 : i64} {
  func.func @_agg1_body(%arg0: i32, %arg1: i32, %arg2: memref<10000x128xf32, #tpu.memory_space<hbm>>, %arg3: memref<32x80x128xi32, #tpu.memory_space<hbm>>, %arg4: memref<32x80x128xi32, #tpu.memory_space<hbm>>, %arg5: memref<640x128xf32, #tpu.memory_space<hbm>>, %arg6: memref<128x128xf32, #tpu.memory_space<hbm>>, %arg7: memref<2x10240x128xf32, #tpu.memory_space<hbm>>, %arg8: memref<2x10240x128xf32, #tpu.memory_space<hbm>>, %arg9: memref<10240x128xf32, #tpu.memory_space<vmem_shared>>, %arg10: memref<8x128xi32, #tpu.memory_space<vmem>>, %arg11: memref<8x128xi32, #tpu.memory_space<vmem>>, %arg12: memref<128x128xf32, #tpu.memory_space<vmem>>, %arg13: memref<128x128xf32, #tpu.memory_space<vmem>>, %arg14: memref<!tpu.dma_semaphore, #tpu.memory_space<semaphore_mem>>, %arg15: memref<!tpu.dma_semaphore, #tpu.memory_space<semaphore_mem>>) attributes {dimension_semantics = [#tpu.dimension_semantics<core_parallel>, #tpu.dimension_semantics<subcore_parallel>], iteration_bounds = array<i64: 2, 16>, scalar_prefetch = 0 : i64, scratch_operands = 7 : i64, tpu.core_type = #tpu.core_type<sc_vector_subcore>, window_params = [{transform_indices = #map}, {transform_indices = #map1}, {transform_indices = #map1}, {transform_indices = #map}, {transform_indices = #map}, {transform_indices = #map1}, {transform_indices = #map1}]} {
    %mul3A = arith.constant 2 : i32
    %mul3A_0 = arith.muli %arg1, %mul3A : i32
    %add3A = arith.addi %mul3A_0, %arg0 : i32
    %mul3A_1 = arith.constant 640 : i32
    %mul3A_2 = arith.muli %arg1, %mul3A_1 : i32
    "tpu.region"() ({
      %run_scoped3A = tpu.sem_alloc : memref<!tpu.dma_semaphore, #tpu.memory_space<semaphore_mem>>
      %dma_start3A = arith.constant 0 : i32
      %dma_start3A_27 = tpu.memref_slice %arg9[%mul3A_2, %dma_start3A] : memref<10240x128xf32, #tpu.memory_space<vmem_shared>> -> memref<640x128xf32, #tpu.memory_space<vmem_shared>>
      tpu.enqueue_dma source(%arg5 : memref<640x128xf32, #tpu.memory_space<hbm>>) target(%dma_start3A_27 : memref<640x128xf32, #tpu.memory_space<vmem_shared>>) target_semaphore(%run_scoped3A : memref<!tpu.dma_semaphore, #tpu.memory_space<semaphore_mem>>)
      %dma_wait3A = arith.constant 0 : i32
      %dma_wait3A_28 = tpu.memref_slice %arg9[%mul3A_2, %dma_wait3A] : memref<10240x128xf32, #tpu.memory_space<vmem_shared>> -> memref<640x128xf32, #tpu.memory_space<vmem_shared>>
      tpu.wait_dma2 semaphore(%run_scoped3A : memref<!tpu.dma_semaphore, #tpu.memory_space<semaphore_mem>>) src(%arg5 : memref<640x128xf32, #tpu.memory_space<hbm>>) dst(%dma_wait3A_28 : memref<640x128xf32, #tpu.memory_space<vmem_shared>>)
      tpu.yield
    }) : () -> ()
    %barrier3A = arith.constant 0 : index
    tpu.barrier barrier_id(%barrier3A)
    %scan3A = arith.constant 0 : i32
    %scan3A_3 = arith.constant 0 : i32
    %scan3A_4 = arith.constant 10 : i32
    %scan3A_5 = arith.addi %scan3A_3, %scan3A_4 : i32
    %scan3A_6 = arith.constant 1 : i32
    scf.for %scan3A_27 = %scan3A_3 to %scan3A_5 step %scan3A_6  : i32 {
      %mul3A_28 = arith.constant 8 : i32
      %mul3A_29 = arith.muli %scan3A_27, %mul3A_28 : i32
      "tpu.region"() ({
        %run_scoped3A_149 = tpu.sem_alloc : memref<!tpu.dma_semaphore, #tpu.memory_space<semaphore_mem>>
        %dma_start3A_150 = arith.constant 0 : i32
        %dma_start3A_151 = tpu.memref_slice %arg3[%add3A, %mul3A_29, %dma_start3A_150] : memref<32x80x128xi32, #tpu.memory_space<hbm>> -> memref<1x8x128xi32, #tpu.memory_space<hbm>>
        %dma_start3A_152 = tpu.memref_squeeze %dma_start3A_151 : memref<1x8x128xi32, #tpu.memory_space<hbm>> -> memref<8x128xi32, #tpu.memory_space<hbm>>
        %dma_start3A_153 = arith.constant 0 : i32
        %dma_start3A_154 = tpu.memref_slice %arg3[%add3A, %mul3A_29, %dma_start3A_153] : memref<32x80x128xi32, #tpu.memory_space<hbm>> -> memref<1x8x128xi32, #tpu.memory_space<hbm>>
        %dma_start3A_155 = tpu.memref_squeeze %dma_start3A_154 : memref<1x8x128xi32, #tpu.memory_space<hbm>> -> memref<8x128xi32, #tpu.memory_space<hbm>>
        tpu.enqueue_dma source(%dma_start3A_155 : memref<8x128xi32, #tpu.memory_space<hbm>>) target(%arg10 : memref<8x128xi32, #tpu.memory_space<vmem>>) target_semaphore(%run_scoped3A_149 : memref<!tpu.dma_semaphore, #tpu.memory_space<semaphore_mem>>)
        %dma_wait3A_156 = arith.constant 0 : i32
        %dma_wait3A_157 = tpu.memref_slice %arg3[%add3A, %mul3A_29, %dma_wait3A_156] : memref<32x80x128xi32, #tpu.memory_space<hbm>> -> memref<1x8x128xi32, #tpu.memory_space<hbm>>
        %dma_wait3A_158 = tpu.memref_squeeze %dma_wait3A_157 : memref<1x8x128xi32, #tpu.memory_space<hbm>> -> memref<8x128xi32, #tpu.memory_space<hbm>>
        %dma_wait3A_159 = arith.constant 0 : i32
        %dma_wait3A_160 = tpu.memref_slice %arg3[%add3A, %mul3A_29, %dma_wait3A_159] : memref<32x80x128xi32, #tpu.memory_space<hbm>> -> memref<1x8x128xi32, #tpu.memory_space<hbm>>
        %dma_wait3A_161 = tpu.memref_squeeze %dma_wait3A_160 : memref<1x8x128xi32, #tpu.memory_space<hbm>> -> memref<8x128xi32, #tpu.memory_space<hbm>>
        tpu.wait_dma2 semaphore(%run_scoped3A_149 : memref<!tpu.dma_semaphore, #tpu.memory_space<semaphore_mem>>) src(%dma_wait3A_161 : memref<8x128xi32, #tpu.memory_space<hbm>>) dst(%arg10 : memref<8x128xi32, #tpu.memory_space<vmem>>)
        tpu.yield
      }) : () -> ()
      %mul3A_30 = arith.constant 8 : i32
      %mul3A_31 = arith.muli %scan3A_27, %mul3A_30 : i32
      "tpu.region"() ({
        %run_scoped3A_149 = tpu.sem_alloc : memref<!tpu.dma_semaphore, #tpu.memory_space<semaphore_mem>>
        %dma_start3A_150 = arith.constant 0 : i32
        %dma_start3A_151 = tpu.memref_slice %arg4[%add3A, %mul3A_31, %dma_start3A_150] : memref<32x80x128xi32, #tpu.memory_space<hbm>> -> memref<1x8x128xi32, #tpu.memory_space<hbm>>
        %dma_start3A_152 = tpu.memref_squeeze %dma_start3A_151 : memref<1x8x128xi32, #tpu.memory_space<hbm>> -> memref<8x128xi32, #tpu.memory_space<hbm>>
        %dma_start3A_153 = arith.constant 0 : i32
        %dma_start3A_154 = tpu.memref_slice %arg4[%add3A, %mul3A_31, %dma_start3A_153] : memref<32x80x128xi32, #tpu.memory_space<hbm>> -> memref<1x8x128xi32, #tpu.memory_space<hbm>>
        %dma_start3A_155 = tpu.memref_squeeze %dma_start3A_154 : memref<1x8x128xi32, #tpu.memory_space<hbm>> -> memref<8x128xi32, #tpu.memory_space<hbm>>
        tpu.enqueue_dma source(%dma_start3A_155 : memref<8x128xi32, #tpu.memory_space<hbm>>) target(%arg11 : memref<8x128xi32, #tpu.memory_space<vmem>>) target_semaphore(%run_scoped3A_149 : memref<!tpu.dma_semaphore, #tpu.memory_space<semaphore_mem>>)
        %dma_wait3A_156 = arith.constant 0 : i32
        %dma_wait3A_157 = tpu.memref_slice %arg4[%add3A, %mul3A_31, %dma_wait3A_156] : memref<32x80x128xi32, #tpu.memory_space<hbm>> -> memref<1x8x128xi32, #tpu.memory_space<hbm>>
        %dma_wait3A_158 = tpu.memref_squeeze %dma_wait3A_157 : memref<1x8x128xi32, #tpu.memory_space<hbm>> -> memref<8x128xi32, #tpu.memory_space<hbm>>
        %dma_wait3A_159 = arith.constant 0 : i32
        %dma_wait3A_160 = tpu.memref_slice %arg4[%add3A, %mul3A_31, %dma_wait3A_159] : memref<32x80x128xi32, #tpu.memory_space<hbm>> -> memref<1x8x128xi32, #tpu.memory_space<hbm>>
        %dma_wait3A_161 = tpu.memref_squeeze %dma_wait3A_160 : memref<1x8x128xi32, #tpu.memory_space<hbm>> -> memref<8x128xi32, #tpu.memory_space<hbm>>
        tpu.wait_dma2 semaphore(%run_scoped3A_149 : memref<!tpu.dma_semaphore, #tpu.memory_space<semaphore_mem>>) src(%dma_wait3A_161 : memref<8x128xi32, #tpu.memory_space<hbm>>) dst(%arg11 : memref<8x128xi32, #tpu.memory_space<vmem>>)
        tpu.yield
      }) : () -> ()
      %dma_start3A = arith.constant 0 : i32
      %dma_start3A_32 = arith.constant 0 : i32
      %dma_start3A_33 = tpu.memref_slice %arg10[%dma_start3A, %dma_start3A_32] : memref<8x128xi32, #tpu.memory_space<vmem>> -> memref<1x128xi32, #tpu.memory_space<vmem>>
      %dma_start3A_34 = tpu.memref_squeeze %dma_start3A_33 : memref<1x128xi32, #tpu.memory_space<vmem>> -> memref<128xi32, #tpu.memory_space<vmem>>
      %dma_start3A_35 = arith.constant 0 : i32
      %dma_start3A_36 = arith.constant 0 : i32
      %dma_start3A_37 = tpu.memref_slice %arg2[%dma_start3A_35, %dma_start3A_36] : memref<10000x128xf32, #tpu.memory_space<hbm>> -> memref<10000x128xf32, #tpu.memory_space<hbm>>
      tpu.enqueue_indirect_dma source(%dma_start3A_37 : memref<10000x128xf32, #tpu.memory_space<hbm>>) target(%arg12 : memref<128x128xf32, #tpu.memory_space<vmem>>) offsets(%dma_start3A_34 : memref<128xi32, #tpu.memory_space<vmem>>) semaphore(%arg14 : memref<!tpu.dma_semaphore, #tpu.memory_space<semaphore_mem>>)
      %dma_wait3A = arith.constant 0 : i32
      %dma_wait3A_38 = arith.constant 0 : i32
      %dma_wait3A_39 = tpu.memref_slice %arg10[%dma_wait3A, %dma_wait3A_38] : memref<8x128xi32, #tpu.memory_space<vmem>> -> memref<1x128xi32, #tpu.memory_space<vmem>>
      %dma_wait3A_40 = tpu.memref_squeeze %dma_wait3A_39 : memref<1x128xi32, #tpu.memory_space<vmem>> -> memref<128xi32, #tpu.memory_space<vmem>>
      %dma_wait3A_41 = arith.constant 0 : i32
      %dma_wait3A_42 = arith.constant 0 : i32
      %dma_wait3A_43 = tpu.memref_slice %arg2[%dma_wait3A_41, %dma_wait3A_42] : memref<10000x128xf32, #tpu.memory_space<hbm>> -> memref<10000x128xf32, #tpu.memory_space<hbm>>
      tpu.wait_indirect_dma semaphore(%arg14 : memref<!tpu.dma_semaphore, #tpu.memory_space<semaphore_mem>>) src(%dma_wait3A_43 : memref<10000x128xf32, #tpu.memory_space<hbm>>) dst(%arg12 : memref<128x128xf32, #tpu.memory_space<vmem>>)
      %dma_start3A_44 = arith.constant 1 : i32
      %dma_start3A_45 = arith.constant 0 : i32
      %dma_start3A_46 = tpu.memref_slice %arg10[%dma_start3A_44, %dma_start3A_45] : memref<8x128xi32, #tpu.memory_space<vmem>> -> memref<1x128xi32, #tpu.memory_space<vmem>>
      %dma_start3A_47 = tpu.memref_squeeze %dma_start3A_46 : memref<1x128xi32, #tpu.memory_space<vmem>> -> memref<128xi32, #tpu.memory_space<vmem>>
      %dma_start3A_48 = arith.constant 0 : i32
      %dma_start3A_49 = arith.constant 0 : i32
      %dma_start3A_50 = tpu.memref_slice %arg2[%dma_start3A_48, %dma_start3A_49] : memref<10000x128xf32, #tpu.memory_space<hbm>> -> memref<10000x128xf32, #tpu.memory_space<hbm>>
      tpu.enqueue_indirect_dma source(%dma_start3A_50 : memref<10000x128xf32, #tpu.memory_space<hbm>>) target(%arg13 : memref<128x128xf32, #tpu.memory_space<vmem>>) offsets(%dma_start3A_47 : memref<128xi32, #tpu.memory_space<vmem>>) semaphore(%arg15 : memref<!tpu.dma_semaphore, #tpu.memory_space<semaphore_mem>>)
      %run_scoped3A = arith.constant 0 : i32
      "tpu.region"() ({
        %run_scoped3A_149 = tpu.sem_alloc : memref<!tpu.dma_semaphore, #tpu.memory_space<semaphore_mem>>
        %dma_start3A_150 = arith.constant 0 : i32
        %dma_start3A_151 = tpu.memref_slice %arg11[%run_scoped3A, %dma_start3A_150] : memref<8x128xi32, #tpu.memory_space<vmem>> -> memref<1x128xi32, #tpu.memory_space<vmem>>
        %dma_start3A_152 = tpu.memref_squeeze %dma_start3A_151 : memref<1x128xi32, #tpu.memory_space<vmem>> -> memref<128xi32, #tpu.memory_space<vmem>>
        %dma_start3A_153 = arith.constant 0 : i32
        %dma_start3A_154 = arith.constant 0 : i32
        %dma_start3A_155 = tpu.memref_slice %arg9[%dma_start3A_153, %dma_start3A_154] : memref<10240x128xf32, #tpu.memory_space<vmem_shared>> -> memref<10240x128xf32, #tpu.memory_space<vmem_shared>>
        tpu.enqueue_indirect_dma source(%arg12 : memref<128x128xf32, #tpu.memory_space<vmem>>) target(%dma_start3A_155 : memref<10240x128xf32, #tpu.memory_space<vmem_shared>>) offsets(%dma_start3A_152 : memref<128xi32, #tpu.memory_space<vmem>>) semaphore(%run_scoped3A_149 : memref<!tpu.dma_semaphore, #tpu.memory_space<semaphore_mem>>) {add = true}
        %dma_wait3A_156 = arith.constant 0 : i32
        %dma_wait3A_157 = tpu.memref_slice %arg11[%run_scoped3A, %dma_wait3A_156] : memref<8x128xi32, #tpu.memory_space<vmem>> -> memref<1x128xi32, #tpu.memory_space<vmem>>
        %dma_wait3A_158 = tpu.memref_squeeze %dma_wait3A_157 : memref<1x128xi32, #tpu.memory_space<vmem>> -> memref<128xi32, #tpu.memory_space<vmem>>
        %dma_wait3A_159 = arith.constant 0 : i32
        %dma_wait3A_160 = arith.constant 0 : i32
        %dma_wait3A_161 = tpu.memref_slice %arg9[%dma_wait3A_159, %dma_wait3A_160] : memref<10240x128xf32, #tpu.memory_space<vmem_shared>> -> memref<10240x128xf32, #tpu.memory_space<vmem_shared>>
        tpu.wait_indirect_dma semaphore(%run_scoped3A_149 : memref<!tpu.dma_semaphore, #tpu.memory_space<semaphore_mem>>) src(%arg12 : memref<128x128xf32, #tpu.memory_space<vmem>>) dst(%dma_wait3A_161 : memref<10240x128xf32, #tpu.memory_space<vmem_shared>>)
        tpu.yield
      }) : () -> ()
      %dma_wait3A_51 = arith.constant 1 : i32
      %dma_wait3A_52 = arith.constant 0 : i32
      %dma_wait3A_53 = tpu.memref_slice %arg10[%dma_wait3A_51, %dma_wait3A_52] : memref<8x128xi32, #tpu.memory_space<vmem>> -> memref<1x128xi32, #tpu.memory_space<vmem>>
      %dma_wait3A_54 = tpu.memref_squeeze %dma_wait3A_53 : memref<1x128xi32, #tpu.memory_space<vmem>> -> memref<128xi32, #tpu.memory_space<vmem>>
      %dma_wait3A_55 = arith.constant 0 : i32
      %dma_wait3A_56 = arith.constant 0 : i32
      %dma_wait3A_57 = tpu.memref_slice %arg2[%dma_wait3A_55, %dma_wait3A_56] : memref<10000x128xf32, #tpu.memory_space<hbm>> -> memref<10000x128xf32, #tpu.memory_space<hbm>>
      tpu.wait_indirect_dma semaphore(%arg15 : memref<!tpu.dma_semaphore, #tpu.memory_space<semaphore_mem>>) src(%dma_wait3A_57 : memref<10000x128xf32, #tpu.memory_space<hbm>>) dst(%arg13 : memref<128x128xf32, #tpu.memory_space<vmem>>)
      %dma_start3A_58 = arith.constant 2 : i32
      %dma_start3A_59 = arith.constant 0 : i32
      %dma_start3A_60 = tpu.memref_slice %arg10[%dma_start3A_58, %dma_start3A_59] : memref<8x128xi32, #tpu.memory_space<vmem>> -> memref<1x128xi32, #tpu.memory_space<vmem>>
      %dma_start3A_61 = tpu.memref_squeeze %dma_start3A_60 : memref<1x128xi32, #tpu.memory_space<vmem>> -> memref<128xi32, #tpu.memory_space<vmem>>
      %dma_start3A_62 = arith.constant 0 : i32
      %dma_start3A_63 = arith.constant 0 : i32
      %dma_start3A_64 = tpu.memref_slice %arg2[%dma_start3A_62, %dma_start3A_63] : memref<10000x128xf32, #tpu.memory_space<hbm>> -> memref<10000x128xf32, #tpu.memory_space<hbm>>
      tpu.enqueue_indirect_dma source(%dma_start3A_64 : memref<10000x128xf32, #tpu.memory_space<hbm>>) target(%arg12 : memref<128x128xf32, #tpu.memory_space<vmem>>) offsets(%dma_start3A_61 : memref<128xi32, #tpu.memory_space<vmem>>) semaphore(%arg14 : memref<!tpu.dma_semaphore, #tpu.memory_space<semaphore_mem>>)
      %run_scoped3A_65 = arith.constant 1 : i32
      "tpu.region"() ({
        %run_scoped3A_149 = tpu.sem_alloc : memref<!tpu.dma_semaphore, #tpu.memory_space<semaphore_mem>>
        %dma_start3A_150 = arith.constant 0 : i32
        %dma_start3A_151 = tpu.memref_slice %arg11[%run_scoped3A_65, %dma_start3A_150] : memref<8x128xi32, #tpu.memory_space<vmem>> -> memref<1x128xi32, #tpu.memory_space<vmem>>
        %dma_start3A_152 = tpu.memref_squeeze %dma_start3A_151 : memref<1x128xi32, #tpu.memory_space<vmem>> -> memref<128xi32, #tpu.memory_space<vmem>>
        %dma_start3A_153 = arith.constant 0 : i32
        %dma_start3A_154 = arith.constant 0 : i32
        %dma_start3A_155 = tpu.memref_slice %arg9[%dma_start3A_153, %dma_start3A_154] : memref<10240x128xf32, #tpu.memory_space<vmem_shared>> -> memref<10240x128xf32, #tpu.memory_space<vmem_shared>>
        tpu.enqueue_indirect_dma source(%arg13 : memref<128x128xf32, #tpu.memory_space<vmem>>) target(%dma_start3A_155 : memref<10240x128xf32, #tpu.memory_space<vmem_shared>>) offsets(%dma_start3A_152 : memref<128xi32, #tpu.memory_space<vmem>>) semaphore(%run_scoped3A_149 : memref<!tpu.dma_semaphore, #tpu.memory_space<semaphore_mem>>) {add = true}
        %dma_wait3A_156 = arith.constant 0 : i32
        %dma_wait3A_157 = tpu.memref_slice %arg11[%run_scoped3A_65, %dma_wait3A_156] : memref<8x128xi32, #tpu.memory_space<vmem>> -> memref<1x128xi32, #tpu.memory_space<vmem>>
        %dma_wait3A_158 = tpu.memref_squeeze %dma_wait3A_157 : memref<1x128xi32, #tpu.memory_space<vmem>> -> memref<128xi32, #tpu.memory_space<vmem>>
        %dma_wait3A_159 = arith.constant 0 : i32
        %dma_wait3A_160 = arith.constant 0 : i32
        %dma_wait3A_161 = tpu.memref_slice %arg9[%dma_wait3A_159, %dma_wait3A_160] : memref<10240x128xf32, #tpu.memory_space<vmem_shared>> -> memref<10240x128xf32, #tpu.memory_space<vmem_shared>>
        tpu.wait_indirect_dma semaphore(%run_scoped3A_149 : memref<!tpu.dma_semaphore, #tpu.memory_space<semaphore_mem>>) src(%arg13 : memref<128x128xf32, #tpu.memory_space<vmem>>) dst(%dma_wait3A_161 : memref<10240x128xf32, #tpu.memory_space<vmem_shared>>)
        tpu.yield
      }) : () -> ()
      %dma_wait3A_66 = arith.constant 2 : i32
      %dma_wait3A_67 = arith.constant 0 : i32
      %dma_wait3A_68 = tpu.memref_slice %arg10[%dma_wait3A_66, %dma_wait3A_67] : memref<8x128xi32, #tpu.memory_space<vmem>> -> memref<1x128xi32, #tpu.memory_space<vmem>>
      %dma_wait3A_69 = tpu.memref_squeeze %dma_wait3A_68 : memref<1x128xi32, #tpu.memory_space<vmem>> -> memref<128xi32, #tpu.memory_space<vmem>>
      %dma_wait3A_70 = arith.constant 0 : i32
      %dma_wait3A_71 = arith.constant 0 : i32
      %dma_wait3A_72 = tpu.memref_slice %arg2[%dma_wait3A_70, %dma_wait3A_71] : memref<10000x128xf32, #tpu.memory_space<hbm>> -> memref<10000x128xf32, #tpu.memory_space<hbm>>
      tpu.wait_indirect_dma semaphore(%arg14 : memref<!tpu.dma_semaphore, #tpu.memory_space<semaphore_mem>>) src(%dma_wait3A_72 : memref<10000x128xf32, #tpu.memory_space<hbm>>) dst(%arg12 : memref<128x128xf32, #tpu.memory_space<vmem>>)
      %dma_start3A_73 = arith.constant 3 : i32
      %dma_start3A_74 = arith.constant 0 : i32
      %dma_start3A_75 = tpu.memref_slice %arg10[%dma_start3A_73, %dma_start3A_74] : memref<8x128xi32, #tpu.memory_space<vmem>> -> memref<1x128xi32, #tpu.memory_space<vmem>>
      %dma_start3A_76 = tpu.memref_squeeze %dma_start3A_75 : memref<1x128xi32, #tpu.memory_space<vmem>> -> memref<128xi32, #tpu.memory_space<vmem>>
      %dma_start3A_77 = arith.constant 0 : i32
      %dma_start3A_78 = arith.constant 0 : i32
      %dma_start3A_79 = tpu.memref_slice %arg2[%dma_start3A_77, %dma_start3A_78] : memref<10000x128xf32, #tpu.memory_space<hbm>> -> memref<10000x128xf32, #tpu.memory_space<hbm>>
      tpu.enqueue_indirect_dma source(%dma_start3A_79 : memref<10000x128xf32, #tpu.memory_space<hbm>>) target(%arg13 : memref<128x128xf32, #tpu.memory_space<vmem>>) offsets(%dma_start3A_76 : memref<128xi32, #tpu.memory_space<vmem>>) semaphore(%arg15 : memref<!tpu.dma_semaphore, #tpu.memory_space<semaphore_mem>>)
      %run_scoped3A_80 = arith.constant 2 : i32
      "tpu.region"() ({
        %run_scoped3A_149 = tpu.sem_alloc : memref<!tpu.dma_semaphore, #tpu.memory_space<semaphore_mem>>
        %dma_start3A_150 = arith.constant 0 : i32
        %dma_start3A_151 = tpu.memref_slice %arg11[%run_scoped3A_80, %dma_start3A_150] : memref<8x128xi32, #tpu.memory_space<vmem>> -> memref<1x128xi32, #tpu.memory_space<vmem>>
        %dma_start3A_152 = tpu.memref_squeeze %dma_start3A_151 : memref<1x128xi32, #tpu.memory_space<vmem>> -> memref<128xi32, #tpu.memory_space<vmem>>
        %dma_start3A_153 = arith.constant 0 : i32
        %dma_start3A_154 = arith.constant 0 : i32
        %dma_start3A_155 = tpu.memref_slice %arg9[%dma_start3A_153, %dma_start3A_154] : memref<10240x128xf32, #tpu.memory_space<vmem_shared>> -> memref<10240x128xf32, #tpu.memory_space<vmem_shared>>
        tpu.enqueue_indirect_dma source(%arg12 : memref<128x128xf32, #tpu.memory_space<vmem>>) target(%dma_start3A_155 : memref<10240x128xf32, #tpu.memory_space<vmem_shared>>) offsets(%dma_start3A_152 : memref<128xi32, #tpu.memory_space<vmem>>) semaphore(%run_scoped3A_149 : memref<!tpu.dma_semaphore, #tpu.memory_space<semaphore_mem>>) {add = true}
        %dma_wait3A_156 = arith.constant 0 : i32
        %dma_wait3A_157 = tpu.memref_slice %arg11[%run_scoped3A_80, %dma_wait3A_156] : memref<8x128xi32, #tpu.memory_space<vmem>> -> memref<1x128xi32, #tpu.memory_space<vmem>>
        %dma_wait3A_158 = tpu.memref_squeeze %dma_wait3A_157 : memref<1x128xi32, #tpu.memory_space<vmem>> -> memref<128xi32, #tpu.memory_space<vmem>>
        %dma_wait3A_159 = arith.constant 0 : i32
        %dma_wait3A_160 = arith.constant 0 : i32
        %dma_wait3A_161 = tpu.memref_slice %arg9[%dma_wait3A_159, %dma_wait3A_160] : memref<10240x128xf32, #tpu.memory_space<vmem_shared>> -> memref<10240x128xf32, #tpu.memory_space<vmem_shared>>
        tpu.wait_indirect_dma semaphore(%run_scoped3A_149 : memref<!tpu.dma_semaphore, #tpu.memory_space<semaphore_mem>>) src(%arg12 : memref<128x128xf32, #tpu.memory_space<vmem>>) dst(%dma_wait3A_161 : memref<10240x128xf32, #tpu.memory_space<vmem_shared>>)
        tpu.yield
      }) : () -> ()
      %dma_wait3A_81 = arith.constant 3 : i32
      %dma_wait3A_82 = arith.constant 0 : i32
      %dma_wait3A_83 = tpu.memref_slice %arg10[%dma_wait3A_81, %dma_wait3A_82] : memref<8x128xi32, #tpu.memory_space<vmem>> -> memref<1x128xi32, #tpu.memory_space<vmem>>
      %dma_wait3A_84 = tpu.memref_squeeze %dma_wait3A_83 : memref<1x128xi32, #tpu.memory_space<vmem>> -> memref<128xi32, #tpu.memory_space<vmem>>
      %dma_wait3A_85 = arith.constant 0 : i32
      %dma_wait3A_86 = arith.constant 0 : i32
      %dma_wait3A_87 = tpu.memref_slice %arg2[%dma_wait3A_85, %dma_wait3A_86] : memref<10000x128xf32, #tpu.memory_space<hbm>> -> memref<10000x128xf32, #tpu.memory_space<hbm>>
      tpu.wait_indirect_dma semaphore(%arg15 : memref<!tpu.dma_semaphore, #tpu.memory_space<semaphore_mem>>) src(%dma_wait3A_87 : memref<10000x128xf32, #tpu.memory_space<hbm>>) dst(%arg13 : memref<128x128xf32, #tpu.memory_space<vmem>>)
      %dma_start3A_88 = arith.constant 4 : i32
      %dma_start3A_89 = arith.constant 0 : i32
      %dma_start3A_90 = tpu.memref_slice %arg10[%dma_start3A_88, %dma_start3A_89] : memref<8x128xi32, #tpu.memory_space<vmem>> -> memref<1x128xi32, #tpu.memory_space<vmem>>
      %dma_start3A_91 = tpu.memref_squeeze %dma_start3A_90 : memref<1x128xi32, #tpu.memory_space<vmem>> -> memref<128xi32, #tpu.memory_space<vmem>>
      %dma_start3A_92 = arith.constant 0 : i32
      %dma_start3A_93 = arith.constant 0 : i32
      %dma_start3A_94 = tpu.memref_slice %arg2[%dma_start3A_92, %dma_start3A_93] : memref<10000x128xf32, #tpu.memory_space<hbm>> -> memref<10000x128xf32, #tpu.memory_space<hbm>>
      tpu.enqueue_indirect_dma source(%dma_start3A_94 : memref<10000x128xf32, #tpu.memory_space<hbm>>) target(%arg12 : memref<128x128xf32, #tpu.memory_space<vmem>>) offsets(%dma_start3A_91 : memref<128xi32, #tpu.memory_space<vmem>>) semaphore(%arg14 : memref<!tpu.dma_semaphore, #tpu.memory_space<semaphore_mem>>)
      %run_scoped3A_95 = arith.constant 3 : i32
      "tpu.region"() ({
        %run_scoped3A_149 = tpu.sem_alloc : memref<!tpu.dma_semaphore, #tpu.memory_space<semaphore_mem>>
        %dma_start3A_150 = arith.constant 0 : i32
        %dma_start3A_151 = tpu.memref_slice %arg11[%run_scoped3A_95, %dma_start3A_150] : memref<8x128xi32, #tpu.memory_space<vmem>> -> memref<1x128xi32, #tpu.memory_space<vmem>>
        %dma_start3A_152 = tpu.memref_squeeze %dma_start3A_151 : memref<1x128xi32, #tpu.memory_space<vmem>> -> memref<128xi32, #tpu.memory_space<vmem>>
        %dma_start3A_153 = arith.constant 0 : i32
        %dma_start3A_154 = arith.constant 0 : i32
        %dma_start3A_155 = tpu.memref_slice %arg9[%dma_start3A_153, %dma_start3A_154] : memref<10240x128xf32, #tpu.memory_space<vmem_shared>> -> memref<10240x128xf32, #tpu.memory_space<vmem_shared>>
        tpu.enqueue_indirect_dma source(%arg13 : memref<128x128xf32, #tpu.memory_space<vmem>>) target(%dma_start3A_155 : memref<10240x128xf32, #tpu.memory_space<vmem_shared>>) offsets(%dma_start3A_152 : memref<128xi32, #tpu.memory_space<vmem>>) semaphore(%run_scoped3A_149 : memref<!tpu.dma_semaphore, #tpu.memory_space<semaphore_mem>>) {add = true}
        %dma_wait3A_156 = arith.constant 0 : i32
        %dma_wait3A_157 = tpu.memref_slice %arg11[%run_scoped3A_95, %dma_wait3A_156] : memref<8x128xi32, #tpu.memory_space<vmem>> -> memref<1x128xi32, #tpu.memory_space<vmem>>
        %dma_wait3A_158 = tpu.memref_squeeze %dma_wait3A_157 : memref<1x128xi32, #tpu.memory_space<vmem>> -> memref<128xi32, #tpu.memory_space<vmem>>
        %dma_wait3A_159 = arith.constant 0 : i32
        %dma_wait3A_160 = arith.constant 0 : i32
        %dma_wait3A_161 = tpu.memref_slice %arg9[%dma_wait3A_159, %dma_wait3A_160] : memref<10240x128xf32, #tpu.memory_space<vmem_shared>> -> memref<10240x128xf32, #tpu.memory_space<vmem_shared>>
        tpu.wait_indirect_dma semaphore(%run_scoped3A_149 : memref<!tpu.dma_semaphore, #tpu.memory_space<semaphore_mem>>) src(%arg13 : memref<128x128xf32, #tpu.memory_space<vmem>>) dst(%dma_wait3A_161 : memref<10240x128xf32, #tpu.memory_space<vmem_shared>>)
        tpu.yield
      }) : () -> ()
      %dma_wait3A_96 = arith.constant 4 : i32
      %dma_wait3A_97 = arith.constant 0 : i32
      %dma_wait3A_98 = tpu.memref_slice %arg10[%dma_wait3A_96, %dma_wait3A_97] : memref<8x128xi32, #tpu.memory_space<vmem>> -> memref<1x128xi32, #tpu.memory_space<vmem>>
      %dma_wait3A_99 = tpu.memref_squeeze %dma_wait3A_98 : memref<1x128xi32, #tpu.memory_space<vmem>> -> memref<128xi32, #tpu.memory_space<vmem>>
      %dma_wait3A_100 = arith.constant 0 : i32
      %dma_wait3A_101 = arith.constant 0 : i32
      %dma_wait3A_102 = tpu.memref_slice %arg2[%dma_wait3A_100, %dma_wait3A_101] : memref<10000x128xf32, #tpu.memory_space<hbm>> -> memref<10000x128xf32, #tpu.memory_space<hbm>>
      tpu.wait_indirect_dma semaphore(%arg14 : memref<!tpu.dma_semaphore, #tpu.memory_space<semaphore_mem>>) src(%dma_wait3A_102 : memref<10000x128xf32, #tpu.memory_space<hbm>>) dst(%arg12 : memref<128x128xf32, #tpu.memory_space<vmem>>)
      %dma_start3A_103 = arith.constant 5 : i32
      %dma_start3A_104 = arith.constant 0 : i32
      %dma_start3A_105 = tpu.memref_slice %arg10[%dma_start3A_103, %dma_start3A_104] : memref<8x128xi32, #tpu.memory_space<vmem>> -> memref<1x128xi32, #tpu.memory_space<vmem>>
      %dma_start3A_106 = tpu.memref_squeeze %dma_start3A_105 : memref<1x128xi32, #tpu.memory_space<vmem>> -> memref<128xi32, #tpu.memory_space<vmem>>
      %dma_start3A_107 = arith.constant 0 : i32
      %dma_start3A_108 = arith.constant 0 : i32
      %dma_start3A_109 = tpu.memref_slice %arg2[%dma_start3A_107, %dma_start3A_108] : memref<10000x128xf32, #tpu.memory_space<hbm>> -> memref<10000x128xf32, #tpu.memory_space<hbm>>
      tpu.enqueue_indirect_dma source(%dma_start3A_109 : memref<10000x128xf32, #tpu.memory_space<hbm>>) target(%arg13 : memref<128x128xf32, #tpu.memory_space<vmem>>) offsets(%dma_start3A_106 : memref<128xi32, #tpu.memory_space<vmem>>) semaphore(%arg15 : memref<!tpu.dma_semaphore, #tpu.memory_space<semaphore_mem>>)
      %run_scoped3A_110 = arith.constant 4 : i32
      "tpu.region"() ({
        %run_scoped3A_149 = tpu.sem_alloc : memref<!tpu.dma_semaphore, #tpu.memory_space<semaphore_mem>>
        %dma_start3A_150 = arith.constant 0 : i32
        %dma_start3A_151 = tpu.memref_slice %arg11[%run_scoped3A_110, %dma_start3A_150] : memref<8x128xi32, #tpu.memory_space<vmem>> -> memref<1x128xi32, #tpu.memory_space<vmem>>
        %dma_start3A_152 = tpu.memref_squeeze %dma_start3A_151 : memref<1x128xi32, #tpu.memory_space<vmem>> -> memref<128xi32, #tpu.memory_space<vmem>>
        %dma_start3A_153 = arith.constant 0 : i32
        %dma_start3A_154 = arith.constant 0 : i32
        %dma_start3A_155 = tpu.memref_slice %arg9[%dma_start3A_153, %dma_start3A_154] : memref<10240x128xf32, #tpu.memory_space<vmem_shared>> -> memref<10240x128xf32, #tpu.memory_space<vmem_shared>>
        tpu.enqueue_indirect_dma source(%arg12 : memref<128x128xf32, #tpu.memory_space<vmem>>) target(%dma_start3A_155 : memref<10240x128xf32, #tpu.memory_space<vmem_shared>>) offsets(%dma_start3A_152 : memref<128xi32, #tpu.memory_space<vmem>>) semaphore(%run_scoped3A_149 : memref<!tpu.dma_semaphore, #tpu.memory_space<semaphore_mem>>) {add = true}
        %dma_wait3A_156 = arith.constant 0 : i32
        %dma_wait3A_157 = tpu.memref_slice %arg11[%run_scoped3A_110, %dma_wait3A_156] : memref<8x128xi32, #tpu.memory_space<vmem>> -> memref<1x128xi32, #tpu.memory_space<vmem>>
        %dma_wait3A_158 = tpu.memref_squeeze %dma_wait3A_157 : memref<1x128xi32, #tpu.memory_space<vmem>> -> memref<128xi32, #tpu.memory_space<vmem>>
        %dma_wait3A_159 = arith.constant 0 : i32
        %dma_wait3A_160 = arith.constant 0 : i32
        %dma_wait3A_161 = tpu.memref_slice %arg9[%dma_wait3A_159, %dma_wait3A_160] : memref<10240x128xf32, #tpu.memory_space<vmem_shared>> -> memref<10240x128xf32, #tpu.memory_space<vmem_shared>>
        tpu.wait_indirect_dma semaphore(%run_scoped3A_149 : memref<!tpu.dma_semaphore, #tpu.memory_space<semaphore_mem>>) src(%arg12 : memref<128x128xf32, #tpu.memory_space<vmem>>) dst(%dma_wait3A_161 : memref<10240x128xf32, #tpu.memory_space<vmem_shared>>)
        tpu.yield
      }) : () -> ()
      %dma_wait3A_111 = arith.constant 5 : i32
      %dma_wait3A_112 = arith.constant 0 : i32
      %dma_wait3A_113 = tpu.memref_slice %arg10[%dma_wait3A_111, %dma_wait3A_112] : memref<8x128xi32, #tpu.memory_space<vmem>> -> memref<1x128xi32, #tpu.memory_space<vmem>>
      %dma_wait3A_114 = tpu.memref_squeeze %dma_wait3A_113 : memref<1x128xi32, #tpu.memory_space<vmem>> -> memref<128xi32, #tpu.memory_space<vmem>>
      %dma_wait3A_115 = arith.constant 0 : i32
      %dma_wait3A_116 = arith.constant 0 : i32
      %dma_wait3A_117 = tpu.memref_slice %arg2[%dma_wait3A_115, %dma_wait3A_116] : memref<10000x128xf32, #tpu.memory_space<hbm>> -> memref<10000x128xf32, #tpu.memory_space<hbm>>
      tpu.wait_indirect_dma semaphore(%arg15 : memref<!tpu.dma_semaphore, #tpu.memory_space<semaphore_mem>>) src(%dma_wait3A_117 : memref<10000x128xf32, #tpu.memory_space<hbm>>) dst(%arg13 : memref<128x128xf32, #tpu.memory_space<vmem>>)
      %dma_start3A_118 = arith.constant 6 : i32
      %dma_start3A_119 = arith.constant 0 : i32
      %dma_start3A_120 = tpu.memref_slice %arg10[%dma_start3A_118, %dma_start3A_119] : memref<8x128xi32, #tpu.memory_space<vmem>> -> memref<1x128xi32, #tpu.memory_space<vmem>>
      %dma_start3A_121 = tpu.memref_squeeze %dma_start3A_120 : memref<1x128xi32, #tpu.memory_space<vmem>> -> memref<128xi32, #tpu.memory_space<vmem>>
      %dma_start3A_122 = arith.constant 0 : i32
      %dma_start3A_123 = arith.constant 0 : i32
      %dma_start3A_124 = tpu.memref_slice %arg2[%dma_start3A_122, %dma_start3A_123] : memref<10000x128xf32, #tpu.memory_space<hbm>> -> memref<10000x128xf32, #tpu.memory_space<hbm>>
      tpu.enqueue_indirect_dma source(%dma_start3A_124 : memref<10000x128xf32, #tpu.memory_space<hbm>>) target(%arg12 : memref<128x128xf32, #tpu.memory_space<vmem>>) offsets(%dma_start3A_121 : memref<128xi32, #tpu.memory_space<vmem>>) semaphore(%arg14 : memref<!tpu.dma_semaphore, #tpu.memory_space<semaphore_mem>>)
      %run_scoped3A_125 = arith.constant 5 : i32
      "tpu.region"() ({
        %run_scoped3A_149 = tpu.sem_alloc : memref<!tpu.dma_semaphore, #tpu.memory_space<semaphore_mem>>
        %dma_start3A_150 = arith.constant 0 : i32
        %dma_start3A_151 = tpu.memref_slice %arg11[%run_scoped3A_125, %dma_start3A_150] : memref<8x128xi32, #tpu.memory_space<vmem>> -> memref<1x128xi32, #tpu.memory_space<vmem>>
        %dma_start3A_152 = tpu.memref_squeeze %dma_start3A_151 : memref<1x128xi32, #tpu.memory_space<vmem>> -> memref<128xi32, #tpu.memory_space<vmem>>
        %dma_start3A_153 = arith.constant 0 : i32
        %dma_start3A_154 = arith.constant 0 : i32
        %dma_start3A_155 = tpu.memref_slice %arg9[%dma_start3A_153, %dma_start3A_154] : memref<10240x128xf32, #tpu.memory_space<vmem_shared>> -> memref<10240x128xf32, #tpu.memory_space<vmem_shared>>
        tpu.enqueue_indirect_dma source(%arg13 : memref<128x128xf32, #tpu.memory_space<vmem>>) target(%dma_start3A_155 : memref<10240x128xf32, #tpu.memory_space<vmem_shared>>) offsets(%dma_start3A_152 : memref<128xi32, #tpu.memory_space<vmem>>) semaphore(%run_scoped3A_149 : memref<!tpu.dma_semaphore, #tpu.memory_space<semaphore_mem>>) {add = true}
        %dma_wait3A_156 = arith.constant 0 : i32
        %dma_wait3A_157 = tpu.memref_slice %arg11[%run_scoped3A_125, %dma_wait3A_156] : memref<8x128xi32, #tpu.memory_space<vmem>> -> memref<1x128xi32, #tpu.memory_space<vmem>>
        %dma_wait3A_158 = tpu.memref_squeeze %dma_wait3A_157 : memref<1x128xi32, #tpu.memory_space<vmem>> -> memref<128xi32, #tpu.memory_space<vmem>>
        %dma_wait3A_159 = arith.constant 0 : i32
        %dma_wait3A_160 = arith.constant 0 : i32
        %dma_wait3A_161 = tpu.memref_slice %arg9[%dma_wait3A_159, %dma_wait3A_160] : memref<10240x128xf32, #tpu.memory_space<vmem_shared>> -> memref<10240x128xf32, #tpu.memory_space<vmem_shared>>
        tpu.wait_indirect_dma semaphore(%run_scoped3A_149 : memref<!tpu.dma_semaphore, #tpu.memory_space<semaphore_mem>>) src(%arg13 : memref<128x128xf32, #tpu.memory_space<vmem>>) dst(%dma_wait3A_161 : memref<10240x128xf32, #tpu.memory_space<vmem_shared>>)
        tpu.yield
      }) : () -> ()
      %dma_wait3A_126 = arith.constant 6 : i32
      %dma_wait3A_127 = arith.constant 0 : i32
      %dma_wait3A_128 = tpu.memref_slice %arg10[%dma_wait3A_126, %dma_wait3A_127] : memref<8x128xi32, #tpu.memory_space<vmem>> -> memref<1x128xi32, #tpu.memory_space<vmem>>
      %dma_wait3A_129 = tpu.memref_squeeze %dma_wait3A_128 : memref<1x128xi32, #tpu.memory_space<vmem>> -> memref<128xi32, #tpu.memory_space<vmem>>
      %dma_wait3A_130 = arith.constant 0 : i32
      %dma_wait3A_131 = arith.constant 0 : i32
      %dma_wait3A_132 = tpu.memref_slice %arg2[%dma_wait3A_130, %dma_wait3A_131] : memref<10000x128xf32, #tpu.memory_space<hbm>> -> memref<10000x128xf32, #tpu.memory_space<hbm>>
      tpu.wait_indirect_dma semaphore(%arg14 : memref<!tpu.dma_semaphore, #tpu.memory_space<semaphore_mem>>) src(%dma_wait3A_132 : memref<10000x128xf32, #tpu.memory_space<hbm>>) dst(%arg12 : memref<128x128xf32, #tpu.memory_space<vmem>>)
      %dma_start3A_133 = arith.constant 7 : i32
      %dma_start3A_134 = arith.constant 0 : i32
      %dma_start3A_135 = tpu.memref_slice %arg10[%dma_start3A_133, %dma_start3A_134] : memref<8x128xi32, #tpu.memory_space<vmem>> -> memref<1x128xi32, #tpu.memory_space<vmem>>
      %dma_start3A_136 = tpu.memref_squeeze %dma_start3A_135 : memref<1x128xi32, #tpu.memory_space<vmem>> -> memref<128xi32, #tpu.memory_space<vmem>>
      %dma_start3A_137 = arith.constant 0 : i32
      %dma_start3A_138 = arith.constant 0 : i32
      %dma_start3A_139 = tpu.memref_slice %arg2[%dma_start3A_137, %dma_start3A_138] : memref<10000x128xf32, #tpu.memory_space<hbm>> -> memref<10000x128xf32, #tpu.memory_space<hbm>>
      tpu.enqueue_indirect_dma source(%dma_start3A_139 : memref<10000x128xf32, #tpu.memory_space<hbm>>) target(%arg13 : memref<128x128xf32, #tpu.memory_space<vmem>>) offsets(%dma_start3A_136 : memref<128xi32, #tpu.memory_space<vmem>>) semaphore(%arg15 : memref<!tpu.dma_semaphore, #tpu.memory_space<semaphore_mem>>)
      %run_scoped3A_140 = arith.constant 6 : i32
      "tpu.region"() ({
        %run_scoped3A_149 = tpu.sem_alloc : memref<!tpu.dma_semaphore, #tpu.memory_space<semaphore_mem>>
        %dma_start3A_150 = arith.constant 0 : i32
        %dma_start3A_151 = tpu.memref_slice %arg11[%run_scoped3A_140, %dma_start3A_150] : memref<8x128xi32, #tpu.memory_space<vmem>> -> memref<1x128xi32, #tpu.memory_space<vmem>>
        %dma_start3A_152 = tpu.memref_squeeze %dma_start3A_151 : memref<1x128xi32, #tpu.memory_space<vmem>> -> memref<128xi32, #tpu.memory_space<vmem>>
        %dma_start3A_153 = arith.constant 0 : i32
        %dma_start3A_154 = arith.constant 0 : i32
        %dma_start3A_155 = tpu.memref_slice %arg9[%dma_start3A_153, %dma_start3A_154] : memref<10240x128xf32, #tpu.memory_space<vmem_shared>> -> memref<10240x128xf32, #tpu.memory_space<vmem_shared>>
        tpu.enqueue_indirect_dma source(%arg12 : memref<128x128xf32, #tpu.memory_space<vmem>>) target(%dma_start3A_155 : memref<10240x128xf32, #tpu.memory_space<vmem_shared>>) offsets(%dma_start3A_152 : memref<128xi32, #tpu.memory_space<vmem>>) semaphore(%run_scoped3A_149 : memref<!tpu.dma_semaphore, #tpu.memory_space<semaphore_mem>>) {add = true}
        %dma_wait3A_156 = arith.constant 0 : i32
        %dma_wait3A_157 = tpu.memref_slice %arg11[%run_scoped3A_140, %dma_wait3A_156] : memref<8x128xi32, #tpu.memory_space<vmem>> -> memref<1x128xi32, #tpu.memory_space<vmem>>
        %dma_wait3A_158 = tpu.memref_squeeze %dma_wait3A_157 : memref<1x128xi32, #tpu.memory_space<vmem>> -> memref<128xi32, #tpu.memory_space<vmem>>
        %dma_wait3A_159 = arith.constant 0 : i32
        %dma_wait3A_160 = arith.constant 0 : i32
        %dma_wait3A_161 = tpu.memref_slice %arg9[%dma_wait3A_159, %dma_wait3A_160] : memref<10240x128xf32, #tpu.memory_space<vmem_shared>> -> memref<10240x128xf32, #tpu.memory_space<vmem_shared>>
        tpu.wait_indirect_dma semaphore(%run_scoped3A_149 : memref<!tpu.dma_semaphore, #tpu.memory_space<semaphore_mem>>) src(%arg12 : memref<128x128xf32, #tpu.memory_space<vmem>>) dst(%dma_wait3A_161 : memref<10240x128xf32, #tpu.memory_space<vmem_shared>>)
        tpu.yield
      }) : () -> ()
      %dma_wait3A_141 = arith.constant 7 : i32
      %dma_wait3A_142 = arith.constant 0 : i32
      %dma_wait3A_143 = tpu.memref_slice %arg10[%dma_wait3A_141, %dma_wait3A_142] : memref<8x128xi32, #tpu.memory_space<vmem>> -> memref<1x128xi32, #tpu.memory_space<vmem>>
      %dma_wait3A_144 = tpu.memref_squeeze %dma_wait3A_143 : memref<1x128xi32, #tpu.memory_space<vmem>> -> memref<128xi32, #tpu.memory_space<vmem>>
      %dma_wait3A_145 = arith.constant 0 : i32
      %dma_wait3A_146 = arith.constant 0 : i32
      %dma_wait3A_147 = tpu.memref_slice %arg2[%dma_wait3A_145, %dma_wait3A_146] : memref<10000x128xf32, #tpu.memory_space<hbm>> -> memref<10000x128xf32, #tpu.memory_space<hbm>>
      tpu.wait_indirect_dma semaphore(%arg15 : memref<!tpu.dma_semaphore, #tpu.memory_space<semaphore_mem>>) src(%dma_wait3A_147 : memref<10000x128xf32, #tpu.memory_space<hbm>>) dst(%arg13 : memref<128x128xf32, #tpu.memory_space<vmem>>)
      %run_scoped3A_148 = arith.constant 7 : i32
      "tpu.region"() ({
        %run_scoped3A_149 = tpu.sem_alloc : memref<!tpu.dma_semaphore, #tpu.memory_space<semaphore_mem>>
        %dma_start3A_150 = arith.constant 0 : i32
        %dma_start3A_151 = tpu.memref_slice %arg11[%run_scoped3A_148, %dma_start3A_150] : memref<8x128xi32, #tpu.memory_space<vmem>> -> memref<1x128xi32, #tpu.memory_space<vmem>>
        %dma_start3A_152 = tpu.memref_squeeze %dma_start3A_151 : memref<1x128xi32, #tpu.memory_space<vmem>> -> memref<128xi32, #tpu.memory_space<vmem>>
        %dma_start3A_153 = arith.constant 0 : i32
        %dma_start3A_154 = arith.constant 0 : i32
        %dma_start3A_155 = tpu.memref_slice %arg9[%dma_start3A_153, %dma_start3A_154] : memref<10240x128xf32, #tpu.memory_space<vmem_shared>> -> memref<10240x128xf32, #tpu.memory_space<vmem_shared>>
        tpu.enqueue_indirect_dma source(%arg13 : memref<128x128xf32, #tpu.memory_space<vmem>>) target(%dma_start3A_155 : memref<10240x128xf32, #tpu.memory_space<vmem_shared>>) offsets(%dma_start3A_152 : memref<128xi32, #tpu.memory_space<vmem>>) semaphore(%run_scoped3A_149 : memref<!tpu.dma_semaphore, #tpu.memory_space<semaphore_mem>>) {add = true}
        %dma_wait3A_156 = arith.constant 0 : i32
        %dma_wait3A_157 = tpu.memref_slice %arg11[%run_scoped3A_148, %dma_wait3A_156] : memref<8x128xi32, #tpu.memory_space<vmem>> -> memref<1x128xi32, #tpu.memory_space<vmem>>
        %dma_wait3A_158 = tpu.memref_squeeze %dma_wait3A_157 : memref<1x128xi32, #tpu.memory_space<vmem>> -> memref<128xi32, #tpu.memory_space<vmem>>
        %dma_wait3A_159 = arith.constant 0 : i32
        %dma_wait3A_160 = arith.constant 0 : i32
        %dma_wait3A_161 = tpu.memref_slice %arg9[%dma_wait3A_159, %dma_wait3A_160] : memref<10240x128xf32, #tpu.memory_space<vmem_shared>> -> memref<10240x128xf32, #tpu.memory_space<vmem_shared>>
        tpu.wait_indirect_dma semaphore(%run_scoped3A_149 : memref<!tpu.dma_semaphore, #tpu.memory_space<semaphore_mem>>) src(%arg13 : memref<128x128xf32, #tpu.memory_space<vmem>>) dst(%dma_wait3A_161 : memref<10240x128xf32, #tpu.memory_space<vmem_shared>>)
        tpu.yield
      }) : () -> ()
    }
    %scan3A_7 = arith.constant 10 : i32
    %barrier3A_8 = arith.constant 0 : index
    tpu.barrier barrier_id(%barrier3A_8)
    %mul3A_9 = arith.constant 640 : i32
    %mul3A_10 = arith.muli %arg1, %mul3A_9 : i32
    %mul3A_11 = arith.constant 640 : i32
    %mul3A_12 = arith.muli %arg1, %mul3A_11 : i32
    "tpu.region"() ({
      %run_scoped3A = tpu.sem_alloc : memref<!tpu.dma_semaphore, #tpu.memory_space<semaphore_mem>>
      %dma_start3A = arith.constant 0 : i32
      %dma_start3A_27 = tpu.memref_slice %arg7[%arg0, %mul3A_12, %dma_start3A] : memref<2x10240x128xf32, #tpu.memory_space<hbm>> -> memref<1x640x128xf32, #tpu.memory_space<hbm>>
      %dma_start3A_28 = tpu.memref_squeeze %dma_start3A_27 : memref<1x640x128xf32, #tpu.memory_space<hbm>> -> memref<640x128xf32, #tpu.memory_space<hbm>>
      %dma_start3A_29 = arith.constant 0 : i32
      %dma_start3A_30 = tpu.memref_slice %arg9[%mul3A_10, %dma_start3A_29] : memref<10240x128xf32, #tpu.memory_space<vmem_shared>> -> memref<640x128xf32, #tpu.memory_space<vmem_shared>>
      tpu.enqueue_dma source(%dma_start3A_30 : memref<640x128xf32, #tpu.memory_space<vmem_shared>>) target(%dma_start3A_28 : memref<640x128xf32, #tpu.memory_space<hbm>>) target_semaphore(%run_scoped3A : memref<!tpu.dma_semaphore, #tpu.memory_space<semaphore_mem>>)
      %dma_wait3A = arith.constant 0 : i32
      %dma_wait3A_31 = tpu.memref_slice %arg7[%arg0, %mul3A_12, %dma_wait3A] : memref<2x10240x128xf32, #tpu.memory_space<hbm>> -> memref<1x640x128xf32, #tpu.memory_space<hbm>>
      %dma_wait3A_32 = tpu.memref_squeeze %dma_wait3A_31 : memref<1x640x128xf32, #tpu.memory_space<hbm>> -> memref<640x128xf32, #tpu.memory_space<hbm>>
      %dma_wait3A_33 = arith.constant 0 : i32
      %dma_wait3A_34 = tpu.memref_slice %arg9[%mul3A_10, %dma_wait3A_33] : memref<10240x128xf32, #tpu.memory_space<vmem_shared>> -> memref<640x128xf32, #tpu.memory_space<vmem_shared>>
      tpu.wait_dma2 semaphore(%run_scoped3A : memref<!tpu.dma_semaphore, #tpu.memory_space<semaphore_mem>>) src(%dma_wait3A_34 : memref<640x128xf32, #tpu.memory_space<vmem_shared>>) dst(%dma_wait3A_32 : memref<640x128xf32, #tpu.memory_space<hbm>>)
      tpu.yield
    }) : () -> ()
    %mul3A_13 = arith.constant 640 : i32
    %mul3A_14 = arith.muli %arg1, %mul3A_13 : i32
    "tpu.region"() ({
      %run_scoped3A = tpu.sem_alloc : memref<!tpu.dma_semaphore, #tpu.memory_space<semaphore_mem>>
      %dma_start3A = arith.constant 0 : i32
      %dma_start3A_27 = tpu.memref_slice %arg9[%mul3A_14, %dma_start3A] : memref<10240x128xf32, #tpu.memory_space<vmem_shared>> -> memref<640x128xf32, #tpu.memory_space<vmem_shared>>
      tpu.enqueue_dma source(%arg5 : memref<640x128xf32, #tpu.memory_space<hbm>>) target(%dma_start3A_27 : memref<640x128xf32, #tpu.memory_space<vmem_shared>>) target_semaphore(%run_scoped3A : memref<!tpu.dma_semaphore, #tpu.memory_space<semaphore_mem>>)
      %dma_wait3A = arith.constant 0 : i32
      %dma_wait3A_28 = tpu.memref_slice %arg9[%mul3A_14, %dma_wait3A] : memref<10240x128xf32, #tpu.memory_space<vmem_shared>> -> memref<640x128xf32, #tpu.memory_space<vmem_shared>>
      tpu.wait_dma2 semaphore(%run_scoped3A : memref<!tpu.dma_semaphore, #tpu.memory_space<semaphore_mem>>) src(%arg5 : memref<640x128xf32, #tpu.memory_space<hbm>>) dst(%dma_wait3A_28 : memref<640x128xf32, #tpu.memory_space<vmem_shared>>)
      tpu.yield
    }) : () -> ()
    %barrier3A_15 = arith.constant 0 : index
    tpu.barrier barrier_id(%barrier3A_15)
    "tpu.region"() ({
      %run_scoped3A = tpu.sem_alloc : memref<!tpu.dma_semaphore, #tpu.memory_space<semaphore_mem>>
      tpu.enqueue_dma source(%arg6 : memref<128x128xf32, #tpu.memory_space<hbm>>) target(%arg12 : memref<128x128xf32, #tpu.memory_space<vmem>>) target_semaphore(%run_scoped3A : memref<!tpu.dma_semaphore, #tpu.memory_space<semaphore_mem>>)
      tpu.wait_dma2 semaphore(%run_scoped3A : memref<!tpu.dma_semaphore, #tpu.memory_space<semaphore_mem>>) src(%arg6 : memref<128x128xf32, #tpu.memory_space<hbm>>) dst(%arg12 : memref<128x128xf32, #tpu.memory_space<vmem>>)
      tpu.yield
    }) : () -> ()
    %scan3A_16 = arith.constant 0 : i32
    %scan3A_17 = arith.constant 0 : i32
    %scan3A_18 = arith.constant 10 : i32
    %scan3A_19 = arith.addi %scan3A_17, %scan3A_18 : i32
    %scan3A_20 = arith.constant 1 : i32
    scf.for %scan3A_27 = %scan3A_17 to %scan3A_19 step %scan3A_20  : i32 {
      %mul3A_28 = arith.constant 8 : i32
      %mul3A_29 = arith.muli %scan3A_27, %mul3A_28 : i32
      "tpu.region"() ({
        %run_scoped3A = tpu.sem_alloc : memref<!tpu.dma_semaphore, #tpu.memory_space<semaphore_mem>>
        %dma_start3A = arith.constant 0 : i32
        %dma_start3A_36 = tpu.memref_slice %arg4[%add3A, %mul3A_29, %dma_start3A] : memref<32x80x128xi32, #tpu.memory_space<hbm>> -> memref<1x8x128xi32, #tpu.memory_space<hbm>>
        %dma_start3A_37 = tpu.memref_squeeze %dma_start3A_36 : memref<1x8x128xi32, #tpu.memory_space<hbm>> -> memref<8x128xi32, #tpu.memory_space<hbm>>
        %dma_start3A_38 = arith.constant 0 : i32
        %dma_start3A_39 = tpu.memref_slice %arg4[%add3A, %mul3A_29, %dma_start3A_38] : memref<32x80x128xi32, #tpu.memory_space<hbm>> -> memref<1x8x128xi32, #tpu.memory_space<hbm>>
        %dma_start3A_40 = tpu.memref_squeeze %dma_start3A_39 : memref<1x8x128xi32, #tpu.memory_space<hbm>> -> memref<8x128xi32, #tpu.memory_space<hbm>>
        tpu.enqueue_dma source(%dma_start3A_40 : memref<8x128xi32, #tpu.memory_space<hbm>>) target(%arg11 : memref<8x128xi32, #tpu.memory_space<vmem>>) target_semaphore(%run_scoped3A : memref<!tpu.dma_semaphore, #tpu.memory_space<semaphore_mem>>)
        %dma_wait3A = arith.constant 0 : i32
        %dma_wait3A_41 = tpu.memref_slice %arg4[%add3A, %mul3A_29, %dma_wait3A] : memref<32x80x128xi32, #tpu.memory_space<hbm>> -> memref<1x8x128xi32, #tpu.memory_space<hbm>>
        %dma_wait3A_42 = tpu.memref_squeeze %dma_wait3A_41 : memref<1x8x128xi32, #tpu.memory_space<hbm>> -> memref<8x128xi32, #tpu.memory_space<hbm>>
        %dma_wait3A_43 = arith.constant 0 : i32
        %dma_wait3A_44 = tpu.memref_slice %arg4[%add3A, %mul3A_29, %dma_wait3A_43] : memref<32x80x128xi32, #tpu.memory_space<hbm>> -> memref<1x8x128xi32, #tpu.memory_space<hbm>>
        %dma_wait3A_45 = tpu.memref_squeeze %dma_wait3A_44 : memref<1x8x128xi32, #tpu.memory_space<hbm>> -> memref<8x128xi32, #tpu.memory_space<hbm>>
        tpu.wait_dma2 semaphore(%run_scoped3A : memref<!tpu.dma_semaphore, #tpu.memory_space<semaphore_mem>>) src(%dma_wait3A_45 : memref<8x128xi32, #tpu.memory_space<hbm>>) dst(%arg11 : memref<8x128xi32, #tpu.memory_space<vmem>>)
        tpu.yield
      }) : () -> ()
      %scan3A_30 = arith.constant 0 : i32
      %scan3A_31 = arith.constant 0 : i32
      %scan3A_32 = arith.constant 8 : i32
      %scan3A_33 = arith.addi %scan3A_31, %scan3A_32 : i32
      %scan3A_34 = arith.constant 1 : i32
      scf.for %scan3A_36 = %scan3A_31 to %scan3A_33 step %scan3A_34  : i32 {
        "tpu.region"() ({
          %run_scoped3A = tpu.sem_alloc : memref<!tpu.dma_semaphore, #tpu.memory_space<semaphore_mem>>
          %dma_start3A = arith.constant 0 : i32
          %dma_start3A_37 = tpu.memref_slice %arg11[%scan3A_36, %dma_start3A] : memref<8x128xi32, #tpu.memory_space<vmem>> -> memref<1x128xi32, #tpu.memory_space<vmem>>
          %dma_start3A_38 = tpu.memref_squeeze %dma_start3A_37 : memref<1x128xi32, #tpu.memory_space<vmem>> -> memref<128xi32, #tpu.memory_space<vmem>>
          %dma_start3A_39 = arith.constant 0 : i32
          %dma_start3A_40 = arith.constant 0 : i32
          %dma_start3A_41 = tpu.memref_slice %arg9[%dma_start3A_39, %dma_start3A_40] : memref<10240x128xf32, #tpu.memory_space<vmem_shared>> -> memref<10240x128xf32, #tpu.memory_space<vmem_shared>>
          tpu.enqueue_indirect_dma source(%arg12 : memref<128x128xf32, #tpu.memory_space<vmem>>) target(%dma_start3A_41 : memref<10240x128xf32, #tpu.memory_space<vmem_shared>>) offsets(%dma_start3A_38 : memref<128xi32, #tpu.memory_space<vmem>>) semaphore(%run_scoped3A : memref<!tpu.dma_semaphore, #tpu.memory_space<semaphore_mem>>) {add = true}
          %dma_wait3A = arith.constant 0 : i32
          %dma_wait3A_42 = tpu.memref_slice %arg11[%scan3A_36, %dma_wait3A] : memref<8x128xi32, #tpu.memory_space<vmem>> -> memref<1x128xi32, #tpu.memory_space<vmem>>
          %dma_wait3A_43 = tpu.memref_squeeze %dma_wait3A_42 : memref<1x128xi32, #tpu.memory_space<vmem>> -> memref<128xi32, #tpu.memory_space<vmem>>
          %dma_wait3A_44 = arith.constant 0 : i32
          %dma_wait3A_45 = arith.constant 0 : i32
          %dma_wait3A_46 = tpu.memref_slice %arg9[%dma_wait3A_44, %dma_wait3A_45] : memref<10240x128xf32, #tpu.memory_space<vmem_shared>> -> memref<10240x128xf32, #tpu.memory_space<vmem_shared>>
          tpu.wait_indirect_dma semaphore(%run_scoped3A : memref<!tpu.dma_semaphore, #tpu.memory_space<semaphore_mem>>) src(%arg12 : memref<128x128xf32, #tpu.memory_space<vmem>>) dst(%dma_wait3A_46 : memref<10240x128xf32, #tpu.memory_space<vmem_shared>>)
          tpu.yield
        }) : () -> ()
      }
      %scan3A_35 = arith.constant 8 : i32
    }
    %scan3A_21 = arith.constant 10 : i32
    %barrier3A_22 = arith.constant 0 : index
    tpu.barrier barrier_id(%barrier3A_22)
    %mul3A_23 = arith.constant 640 : i32
    %mul3A_24 = arith.muli %arg1, %mul3A_23 : i32
    %mul3A_25 = arith.constant 640 : i32
    %mul3A_26 = arith.muli %arg1, %mul3A_25 : i32
    "tpu.region"() ({
      %run_scoped3A = tpu.sem_alloc : memref<!tpu.dma_semaphore, #tpu.memory_space<semaphore_mem>>
      %dma_start3A = arith.constant 0 : i32
      %dma_start3A_27 = tpu.memref_slice %arg8[%arg0, %mul3A_26, %dma_start3A] : memref<2x10240x128xf32, #tpu.memory_space<hbm>> -> memref<1x640x128xf32, #tpu.memory_space<hbm>>
      %dma_start3A_28 = tpu.memref_squeeze %dma_start3A_27 : memref<1x640x128xf32, #tpu.memory_space<hbm>> -> memref<640x128xf32, #tpu.memory_space<hbm>>
      %dma_start3A_29 = arith.constant 0 : i32
      %dma_start3A_30 = tpu.memref_slice %arg9[%mul3A_24, %dma_start3A_29] : memref<10240x128xf32, #tpu.memory_space<vmem_shared>> -> memref<640x128xf32, #tpu.memory_space<vmem_shared>>
      tpu.enqueue_dma source(%dma_start3A_30 : memref<640x128xf32, #tpu.memory_space<vmem_shared>>) target(%dma_start3A_28 : memref<640x128xf32, #tpu.memory_space<hbm>>) target_semaphore(%run_scoped3A : memref<!tpu.dma_semaphore, #tpu.memory_space<semaphore_mem>>)
      %dma_wait3A = arith.constant 0 : i32
      %dma_wait3A_31 = tpu.memref_slice %arg8[%arg0, %mul3A_26, %dma_wait3A] : memref<2x10240x128xf32, #tpu.memory_space<hbm>> -> memref<1x640x128xf32, #tpu.memory_space<hbm>>
      %dma_wait3A_32 = tpu.memref_squeeze %dma_wait3A_31 : memref<1x640x128xf32, #tpu.memory_space<hbm>> -> memref<640x128xf32, #tpu.memory_space<hbm>>
      %dma_wait3A_33 = arith.constant 0 : i32
      %dma_wait3A_34 = tpu.memref_slice %arg9[%mul3A_24, %dma_wait3A_33] : memref<10240x128xf32, #tpu.memory_space<vmem_shared>> -> memref<640x128xf32, #tpu.memory_space<vmem_shared>>
      tpu.wait_dma2 semaphore(%run_scoped3A : memref<!tpu.dma_semaphore, #tpu.memory_space<semaphore_mem>>) src(%dma_wait3A_34 : memref<640x128xf32, #tpu.memory_space<vmem_shared>>) dst(%dma_wait3A_32 : memref<640x128xf32, #tpu.memory_space<hbm>>)
      tpu.yield
    }) : () -> ()
    return
  }
}

#map = affine_map<(d0, d1) -> (0, 0)>
#map1 = affine_map<(d0, d1) -> (0, 0, 0)>
module attributes {stable_mosaic.version = 14 : i64} {
  func.func @_agg2_body(%arg0: i32, %arg1: i32, %arg2: memref<10000x128xf32, #tpu.memory_space<hbm>>, %arg3: memref<32x80x128xi32, #tpu.memory_space<hbm>>, %arg4: memref<32x80x128xi32, #tpu.memory_space<hbm>>, %arg5: memref<640x128xf32, #tpu.memory_space<hbm>>, %arg6: memref<2x10240x128xf32, #tpu.memory_space<hbm>>, %arg7: memref<10240x128xf32, #tpu.memory_space<vmem_shared>>, %arg8: memref<8x128xi32, #tpu.memory_space<vmem>>, %arg9: memref<8x128xi32, #tpu.memory_space<vmem>>, %arg10: memref<128x128xf32, #tpu.memory_space<vmem>>, %arg11: memref<128x128xf32, #tpu.memory_space<vmem>>, %arg12: memref<!tpu.dma_semaphore, #tpu.memory_space<semaphore_mem>>, %arg13: memref<!tpu.dma_semaphore, #tpu.memory_space<semaphore_mem>>) attributes {dimension_semantics = [#tpu.dimension_semantics<core_parallel>, #tpu.dimension_semantics<subcore_parallel>], iteration_bounds = array<i64: 2, 16>, scalar_prefetch = 0 : i64, scratch_operands = 7 : i64, tpu.core_type = #tpu.core_type<sc_vector_subcore>, window_params = [{transform_indices = #map}, {transform_indices = #map1}, {transform_indices = #map1}, {transform_indices = #map}, {transform_indices = #map1}]} {
    %mul3A = arith.constant 2 : i32
    %mul3A_0 = arith.muli %arg1, %mul3A : i32
    %add3A = arith.addi %mul3A_0, %arg0 : i32
    %mul3A_1 = arith.constant 640 : i32
    %mul3A_2 = arith.muli %arg1, %mul3A_1 : i32
    "tpu.region"() ({
      %run_scoped3A = tpu.sem_alloc : memref<!tpu.dma_semaphore, #tpu.memory_space<semaphore_mem>>
      %dma_start3A = arith.constant 0 : i32
      %dma_start3A_13 = tpu.memref_slice %arg7[%mul3A_2, %dma_start3A] : memref<10240x128xf32, #tpu.memory_space<vmem_shared>> -> memref<640x128xf32, #tpu.memory_space<vmem_shared>>
      tpu.enqueue_dma source(%arg5 : memref<640x128xf32, #tpu.memory_space<hbm>>) target(%dma_start3A_13 : memref<640x128xf32, #tpu.memory_space<vmem_shared>>) target_semaphore(%run_scoped3A : memref<!tpu.dma_semaphore, #tpu.memory_space<semaphore_mem>>)
      %dma_wait3A = arith.constant 0 : i32
      %dma_wait3A_14 = tpu.memref_slice %arg7[%mul3A_2, %dma_wait3A] : memref<10240x128xf32, #tpu.memory_space<vmem_shared>> -> memref<640x128xf32, #tpu.memory_space<vmem_shared>>
      tpu.wait_dma2 semaphore(%run_scoped3A : memref<!tpu.dma_semaphore, #tpu.memory_space<semaphore_mem>>) src(%arg5 : memref<640x128xf32, #tpu.memory_space<hbm>>) dst(%dma_wait3A_14 : memref<640x128xf32, #tpu.memory_space<vmem_shared>>)
      tpu.yield
    }) : () -> ()
    %barrier3A = arith.constant 0 : index
    tpu.barrier barrier_id(%barrier3A)
    %scan3A = arith.constant 0 : i32
    %scan3A_3 = arith.constant 0 : i32
    %scan3A_4 = arith.constant 10 : i32
    %scan3A_5 = arith.addi %scan3A_3, %scan3A_4 : i32
    %scan3A_6 = arith.constant 1 : i32
    scf.for %scan3A_13 = %scan3A_3 to %scan3A_5 step %scan3A_6  : i32 {
      %mul3A_14 = arith.constant 8 : i32
      %mul3A_15 = arith.muli %scan3A_13, %mul3A_14 : i32
      "tpu.region"() ({
        %run_scoped3A_135 = tpu.sem_alloc : memref<!tpu.dma_semaphore, #tpu.memory_space<semaphore_mem>>
        %dma_start3A_136 = arith.constant 0 : i32
        %dma_start3A_137 = tpu.memref_slice %arg3[%add3A, %mul3A_15, %dma_start3A_136] : memref<32x80x128xi32, #tpu.memory_space<hbm>> -> memref<1x8x128xi32, #tpu.memory_space<hbm>>
        %dma_start3A_138 = tpu.memref_squeeze %dma_start3A_137 : memref<1x8x128xi32, #tpu.memory_space<hbm>> -> memref<8x128xi32, #tpu.memory_space<hbm>>
        %dma_start3A_139 = arith.constant 0 : i32
        %dma_start3A_140 = tpu.memref_slice %arg3[%add3A, %mul3A_15, %dma_start3A_139] : memref<32x80x128xi32, #tpu.memory_space<hbm>> -> memref<1x8x128xi32, #tpu.memory_space<hbm>>
        %dma_start3A_141 = tpu.memref_squeeze %dma_start3A_140 : memref<1x8x128xi32, #tpu.memory_space<hbm>> -> memref<8x128xi32, #tpu.memory_space<hbm>>
        tpu.enqueue_dma source(%dma_start3A_141 : memref<8x128xi32, #tpu.memory_space<hbm>>) target(%arg8 : memref<8x128xi32, #tpu.memory_space<vmem>>) target_semaphore(%run_scoped3A_135 : memref<!tpu.dma_semaphore, #tpu.memory_space<semaphore_mem>>)
        %dma_wait3A_142 = arith.constant 0 : i32
        %dma_wait3A_143 = tpu.memref_slice %arg3[%add3A, %mul3A_15, %dma_wait3A_142] : memref<32x80x128xi32, #tpu.memory_space<hbm>> -> memref<1x8x128xi32, #tpu.memory_space<hbm>>
        %dma_wait3A_144 = tpu.memref_squeeze %dma_wait3A_143 : memref<1x8x128xi32, #tpu.memory_space<hbm>> -> memref<8x128xi32, #tpu.memory_space<hbm>>
        %dma_wait3A_145 = arith.constant 0 : i32
        %dma_wait3A_146 = tpu.memref_slice %arg3[%add3A, %mul3A_15, %dma_wait3A_145] : memref<32x80x128xi32, #tpu.memory_space<hbm>> -> memref<1x8x128xi32, #tpu.memory_space<hbm>>
        %dma_wait3A_147 = tpu.memref_squeeze %dma_wait3A_146 : memref<1x8x128xi32, #tpu.memory_space<hbm>> -> memref<8x128xi32, #tpu.memory_space<hbm>>
        tpu.wait_dma2 semaphore(%run_scoped3A_135 : memref<!tpu.dma_semaphore, #tpu.memory_space<semaphore_mem>>) src(%dma_wait3A_147 : memref<8x128xi32, #tpu.memory_space<hbm>>) dst(%arg8 : memref<8x128xi32, #tpu.memory_space<vmem>>)
        tpu.yield
      }) : () -> ()
      %mul3A_16 = arith.constant 8 : i32
      %mul3A_17 = arith.muli %scan3A_13, %mul3A_16 : i32
      "tpu.region"() ({
        %run_scoped3A_135 = tpu.sem_alloc : memref<!tpu.dma_semaphore, #tpu.memory_space<semaphore_mem>>
        %dma_start3A_136 = arith.constant 0 : i32
        %dma_start3A_137 = tpu.memref_slice %arg4[%add3A, %mul3A_17, %dma_start3A_136] : memref<32x80x128xi32, #tpu.memory_space<hbm>> -> memref<1x8x128xi32, #tpu.memory_space<hbm>>
        %dma_start3A_138 = tpu.memref_squeeze %dma_start3A_137 : memref<1x8x128xi32, #tpu.memory_space<hbm>> -> memref<8x128xi32, #tpu.memory_space<hbm>>
        %dma_start3A_139 = arith.constant 0 : i32
        %dma_start3A_140 = tpu.memref_slice %arg4[%add3A, %mul3A_17, %dma_start3A_139] : memref<32x80x128xi32, #tpu.memory_space<hbm>> -> memref<1x8x128xi32, #tpu.memory_space<hbm>>
        %dma_start3A_141 = tpu.memref_squeeze %dma_start3A_140 : memref<1x8x128xi32, #tpu.memory_space<hbm>> -> memref<8x128xi32, #tpu.memory_space<hbm>>
        tpu.enqueue_dma source(%dma_start3A_141 : memref<8x128xi32, #tpu.memory_space<hbm>>) target(%arg9 : memref<8x128xi32, #tpu.memory_space<vmem>>) target_semaphore(%run_scoped3A_135 : memref<!tpu.dma_semaphore, #tpu.memory_space<semaphore_mem>>)
        %dma_wait3A_142 = arith.constant 0 : i32
        %dma_wait3A_143 = tpu.memref_slice %arg4[%add3A, %mul3A_17, %dma_wait3A_142] : memref<32x80x128xi32, #tpu.memory_space<hbm>> -> memref<1x8x128xi32, #tpu.memory_space<hbm>>
        %dma_wait3A_144 = tpu.memref_squeeze %dma_wait3A_143 : memref<1x8x128xi32, #tpu.memory_space<hbm>> -> memref<8x128xi32, #tpu.memory_space<hbm>>
        %dma_wait3A_145 = arith.constant 0 : i32
        %dma_wait3A_146 = tpu.memref_slice %arg4[%add3A, %mul3A_17, %dma_wait3A_145] : memref<32x80x128xi32, #tpu.memory_space<hbm>> -> memref<1x8x128xi32, #tpu.memory_space<hbm>>
        %dma_wait3A_147 = tpu.memref_squeeze %dma_wait3A_146 : memref<1x8x128xi32, #tpu.memory_space<hbm>> -> memref<8x128xi32, #tpu.memory_space<hbm>>
        tpu.wait_dma2 semaphore(%run_scoped3A_135 : memref<!tpu.dma_semaphore, #tpu.memory_space<semaphore_mem>>) src(%dma_wait3A_147 : memref<8x128xi32, #tpu.memory_space<hbm>>) dst(%arg9 : memref<8x128xi32, #tpu.memory_space<vmem>>)
        tpu.yield
      }) : () -> ()
      %dma_start3A = arith.constant 0 : i32
      %dma_start3A_18 = arith.constant 0 : i32
      %dma_start3A_19 = tpu.memref_slice %arg8[%dma_start3A, %dma_start3A_18] : memref<8x128xi32, #tpu.memory_space<vmem>> -> memref<1x128xi32, #tpu.memory_space<vmem>>
      %dma_start3A_20 = tpu.memref_squeeze %dma_start3A_19 : memref<1x128xi32, #tpu.memory_space<vmem>> -> memref<128xi32, #tpu.memory_space<vmem>>
      %dma_start3A_21 = arith.constant 0 : i32
      %dma_start3A_22 = arith.constant 0 : i32
      %dma_start3A_23 = tpu.memref_slice %arg2[%dma_start3A_21, %dma_start3A_22] : memref<10000x128xf32, #tpu.memory_space<hbm>> -> memref<10000x128xf32, #tpu.memory_space<hbm>>
      tpu.enqueue_indirect_dma source(%dma_start3A_23 : memref<10000x128xf32, #tpu.memory_space<hbm>>) target(%arg10 : memref<128x128xf32, #tpu.memory_space<vmem>>) offsets(%dma_start3A_20 : memref<128xi32, #tpu.memory_space<vmem>>) semaphore(%arg12 : memref<!tpu.dma_semaphore, #tpu.memory_space<semaphore_mem>>)
      %dma_wait3A = arith.constant 0 : i32
      %dma_wait3A_24 = arith.constant 0 : i32
      %dma_wait3A_25 = tpu.memref_slice %arg8[%dma_wait3A, %dma_wait3A_24] : memref<8x128xi32, #tpu.memory_space<vmem>> -> memref<1x128xi32, #tpu.memory_space<vmem>>
      %dma_wait3A_26 = tpu.memref_squeeze %dma_wait3A_25 : memref<1x128xi32, #tpu.memory_space<vmem>> -> memref<128xi32, #tpu.memory_space<vmem>>
      %dma_wait3A_27 = arith.constant 0 : i32
      %dma_wait3A_28 = arith.constant 0 : i32
      %dma_wait3A_29 = tpu.memref_slice %arg2[%dma_wait3A_27, %dma_wait3A_28] : memref<10000x128xf32, #tpu.memory_space<hbm>> -> memref<10000x128xf32, #tpu.memory_space<hbm>>
      tpu.wait_indirect_dma semaphore(%arg12 : memref<!tpu.dma_semaphore, #tpu.memory_space<semaphore_mem>>) src(%dma_wait3A_29 : memref<10000x128xf32, #tpu.memory_space<hbm>>) dst(%arg10 : memref<128x128xf32, #tpu.memory_space<vmem>>)
      %dma_start3A_30 = arith.constant 1 : i32
      %dma_start3A_31 = arith.constant 0 : i32
      %dma_start3A_32 = tpu.memref_slice %arg8[%dma_start3A_30, %dma_start3A_31] : memref<8x128xi32, #tpu.memory_space<vmem>> -> memref<1x128xi32, #tpu.memory_space<vmem>>
      %dma_start3A_33 = tpu.memref_squeeze %dma_start3A_32 : memref<1x128xi32, #tpu.memory_space<vmem>> -> memref<128xi32, #tpu.memory_space<vmem>>
      %dma_start3A_34 = arith.constant 0 : i32
      %dma_start3A_35 = arith.constant 0 : i32
      %dma_start3A_36 = tpu.memref_slice %arg2[%dma_start3A_34, %dma_start3A_35] : memref<10000x128xf32, #tpu.memory_space<hbm>> -> memref<10000x128xf32, #tpu.memory_space<hbm>>
      tpu.enqueue_indirect_dma source(%dma_start3A_36 : memref<10000x128xf32, #tpu.memory_space<hbm>>) target(%arg11 : memref<128x128xf32, #tpu.memory_space<vmem>>) offsets(%dma_start3A_33 : memref<128xi32, #tpu.memory_space<vmem>>) semaphore(%arg13 : memref<!tpu.dma_semaphore, #tpu.memory_space<semaphore_mem>>)
      %run_scoped3A = arith.constant 0 : i32
      "tpu.region"() ({
        %run_scoped3A_135 = tpu.sem_alloc : memref<!tpu.dma_semaphore, #tpu.memory_space<semaphore_mem>>
        %dma_start3A_136 = arith.constant 0 : i32
        %dma_start3A_137 = tpu.memref_slice %arg9[%run_scoped3A, %dma_start3A_136] : memref<8x128xi32, #tpu.memory_space<vmem>> -> memref<1x128xi32, #tpu.memory_space<vmem>>
        %dma_start3A_138 = tpu.memref_squeeze %dma_start3A_137 : memref<1x128xi32, #tpu.memory_space<vmem>> -> memref<128xi32, #tpu.memory_space<vmem>>
        %dma_start3A_139 = arith.constant 0 : i32
        %dma_start3A_140 = arith.constant 0 : i32
        %dma_start3A_141 = tpu.memref_slice %arg7[%dma_start3A_139, %dma_start3A_140] : memref<10240x128xf32, #tpu.memory_space<vmem_shared>> -> memref<10240x128xf32, #tpu.memory_space<vmem_shared>>
        tpu.enqueue_indirect_dma source(%arg10 : memref<128x128xf32, #tpu.memory_space<vmem>>) target(%dma_start3A_141 : memref<10240x128xf32, #tpu.memory_space<vmem_shared>>) offsets(%dma_start3A_138 : memref<128xi32, #tpu.memory_space<vmem>>) semaphore(%run_scoped3A_135 : memref<!tpu.dma_semaphore, #tpu.memory_space<semaphore_mem>>) {add = true}
        %dma_wait3A_142 = arith.constant 0 : i32
        %dma_wait3A_143 = tpu.memref_slice %arg9[%run_scoped3A, %dma_wait3A_142] : memref<8x128xi32, #tpu.memory_space<vmem>> -> memref<1x128xi32, #tpu.memory_space<vmem>>
        %dma_wait3A_144 = tpu.memref_squeeze %dma_wait3A_143 : memref<1x128xi32, #tpu.memory_space<vmem>> -> memref<128xi32, #tpu.memory_space<vmem>>
        %dma_wait3A_145 = arith.constant 0 : i32
        %dma_wait3A_146 = arith.constant 0 : i32
        %dma_wait3A_147 = tpu.memref_slice %arg7[%dma_wait3A_145, %dma_wait3A_146] : memref<10240x128xf32, #tpu.memory_space<vmem_shared>> -> memref<10240x128xf32, #tpu.memory_space<vmem_shared>>
        tpu.wait_indirect_dma semaphore(%run_scoped3A_135 : memref<!tpu.dma_semaphore, #tpu.memory_space<semaphore_mem>>) src(%arg10 : memref<128x128xf32, #tpu.memory_space<vmem>>) dst(%dma_wait3A_147 : memref<10240x128xf32, #tpu.memory_space<vmem_shared>>)
        tpu.yield
      }) : () -> ()
      %dma_wait3A_37 = arith.constant 1 : i32
      %dma_wait3A_38 = arith.constant 0 : i32
      %dma_wait3A_39 = tpu.memref_slice %arg8[%dma_wait3A_37, %dma_wait3A_38] : memref<8x128xi32, #tpu.memory_space<vmem>> -> memref<1x128xi32, #tpu.memory_space<vmem>>
      %dma_wait3A_40 = tpu.memref_squeeze %dma_wait3A_39 : memref<1x128xi32, #tpu.memory_space<vmem>> -> memref<128xi32, #tpu.memory_space<vmem>>
      %dma_wait3A_41 = arith.constant 0 : i32
      %dma_wait3A_42 = arith.constant 0 : i32
      %dma_wait3A_43 = tpu.memref_slice %arg2[%dma_wait3A_41, %dma_wait3A_42] : memref<10000x128xf32, #tpu.memory_space<hbm>> -> memref<10000x128xf32, #tpu.memory_space<hbm>>
      tpu.wait_indirect_dma semaphore(%arg13 : memref<!tpu.dma_semaphore, #tpu.memory_space<semaphore_mem>>) src(%dma_wait3A_43 : memref<10000x128xf32, #tpu.memory_space<hbm>>) dst(%arg11 : memref<128x128xf32, #tpu.memory_space<vmem>>)
      %dma_start3A_44 = arith.constant 2 : i32
      %dma_start3A_45 = arith.constant 0 : i32
      %dma_start3A_46 = tpu.memref_slice %arg8[%dma_start3A_44, %dma_start3A_45] : memref<8x128xi32, #tpu.memory_space<vmem>> -> memref<1x128xi32, #tpu.memory_space<vmem>>
      %dma_start3A_47 = tpu.memref_squeeze %dma_start3A_46 : memref<1x128xi32, #tpu.memory_space<vmem>> -> memref<128xi32, #tpu.memory_space<vmem>>
      %dma_start3A_48 = arith.constant 0 : i32
      %dma_start3A_49 = arith.constant 0 : i32
      %dma_start3A_50 = tpu.memref_slice %arg2[%dma_start3A_48, %dma_start3A_49] : memref<10000x128xf32, #tpu.memory_space<hbm>> -> memref<10000x128xf32, #tpu.memory_space<hbm>>
      tpu.enqueue_indirect_dma source(%dma_start3A_50 : memref<10000x128xf32, #tpu.memory_space<hbm>>) target(%arg10 : memref<128x128xf32, #tpu.memory_space<vmem>>) offsets(%dma_start3A_47 : memref<128xi32, #tpu.memory_space<vmem>>) semaphore(%arg12 : memref<!tpu.dma_semaphore, #tpu.memory_space<semaphore_mem>>)
      %run_scoped3A_51 = arith.constant 1 : i32
      "tpu.region"() ({
        %run_scoped3A_135 = tpu.sem_alloc : memref<!tpu.dma_semaphore, #tpu.memory_space<semaphore_mem>>
        %dma_start3A_136 = arith.constant 0 : i32
        %dma_start3A_137 = tpu.memref_slice %arg9[%run_scoped3A_51, %dma_start3A_136] : memref<8x128xi32, #tpu.memory_space<vmem>> -> memref<1x128xi32, #tpu.memory_space<vmem>>
        %dma_start3A_138 = tpu.memref_squeeze %dma_start3A_137 : memref<1x128xi32, #tpu.memory_space<vmem>> -> memref<128xi32, #tpu.memory_space<vmem>>
        %dma_start3A_139 = arith.constant 0 : i32
        %dma_start3A_140 = arith.constant 0 : i32
        %dma_start3A_141 = tpu.memref_slice %arg7[%dma_start3A_139, %dma_start3A_140] : memref<10240x128xf32, #tpu.memory_space<vmem_shared>> -> memref<10240x128xf32, #tpu.memory_space<vmem_shared>>
        tpu.enqueue_indirect_dma source(%arg11 : memref<128x128xf32, #tpu.memory_space<vmem>>) target(%dma_start3A_141 : memref<10240x128xf32, #tpu.memory_space<vmem_shared>>) offsets(%dma_start3A_138 : memref<128xi32, #tpu.memory_space<vmem>>) semaphore(%run_scoped3A_135 : memref<!tpu.dma_semaphore, #tpu.memory_space<semaphore_mem>>) {add = true}
        %dma_wait3A_142 = arith.constant 0 : i32
        %dma_wait3A_143 = tpu.memref_slice %arg9[%run_scoped3A_51, %dma_wait3A_142] : memref<8x128xi32, #tpu.memory_space<vmem>> -> memref<1x128xi32, #tpu.memory_space<vmem>>
        %dma_wait3A_144 = tpu.memref_squeeze %dma_wait3A_143 : memref<1x128xi32, #tpu.memory_space<vmem>> -> memref<128xi32, #tpu.memory_space<vmem>>
        %dma_wait3A_145 = arith.constant 0 : i32
        %dma_wait3A_146 = arith.constant 0 : i32
        %dma_wait3A_147 = tpu.memref_slice %arg7[%dma_wait3A_145, %dma_wait3A_146] : memref<10240x128xf32, #tpu.memory_space<vmem_shared>> -> memref<10240x128xf32, #tpu.memory_space<vmem_shared>>
        tpu.wait_indirect_dma semaphore(%run_scoped3A_135 : memref<!tpu.dma_semaphore, #tpu.memory_space<semaphore_mem>>) src(%arg11 : memref<128x128xf32, #tpu.memory_space<vmem>>) dst(%dma_wait3A_147 : memref<10240x128xf32, #tpu.memory_space<vmem_shared>>)
        tpu.yield
      }) : () -> ()
      %dma_wait3A_52 = arith.constant 2 : i32
      %dma_wait3A_53 = arith.constant 0 : i32
      %dma_wait3A_54 = tpu.memref_slice %arg8[%dma_wait3A_52, %dma_wait3A_53] : memref<8x128xi32, #tpu.memory_space<vmem>> -> memref<1x128xi32, #tpu.memory_space<vmem>>
      %dma_wait3A_55 = tpu.memref_squeeze %dma_wait3A_54 : memref<1x128xi32, #tpu.memory_space<vmem>> -> memref<128xi32, #tpu.memory_space<vmem>>
      %dma_wait3A_56 = arith.constant 0 : i32
      %dma_wait3A_57 = arith.constant 0 : i32
      %dma_wait3A_58 = tpu.memref_slice %arg2[%dma_wait3A_56, %dma_wait3A_57] : memref<10000x128xf32, #tpu.memory_space<hbm>> -> memref<10000x128xf32, #tpu.memory_space<hbm>>
      tpu.wait_indirect_dma semaphore(%arg12 : memref<!tpu.dma_semaphore, #tpu.memory_space<semaphore_mem>>) src(%dma_wait3A_58 : memref<10000x128xf32, #tpu.memory_space<hbm>>) dst(%arg10 : memref<128x128xf32, #tpu.memory_space<vmem>>)
      %dma_start3A_59 = arith.constant 3 : i32
      %dma_start3A_60 = arith.constant 0 : i32
      %dma_start3A_61 = tpu.memref_slice %arg8[%dma_start3A_59, %dma_start3A_60] : memref<8x128xi32, #tpu.memory_space<vmem>> -> memref<1x128xi32, #tpu.memory_space<vmem>>
      %dma_start3A_62 = tpu.memref_squeeze %dma_start3A_61 : memref<1x128xi32, #tpu.memory_space<vmem>> -> memref<128xi32, #tpu.memory_space<vmem>>
      %dma_start3A_63 = arith.constant 0 : i32
      %dma_start3A_64 = arith.constant 0 : i32
      %dma_start3A_65 = tpu.memref_slice %arg2[%dma_start3A_63, %dma_start3A_64] : memref<10000x128xf32, #tpu.memory_space<hbm>> -> memref<10000x128xf32, #tpu.memory_space<hbm>>
      tpu.enqueue_indirect_dma source(%dma_start3A_65 : memref<10000x128xf32, #tpu.memory_space<hbm>>) target(%arg11 : memref<128x128xf32, #tpu.memory_space<vmem>>) offsets(%dma_start3A_62 : memref<128xi32, #tpu.memory_space<vmem>>) semaphore(%arg13 : memref<!tpu.dma_semaphore, #tpu.memory_space<semaphore_mem>>)
      %run_scoped3A_66 = arith.constant 2 : i32
      "tpu.region"() ({
        %run_scoped3A_135 = tpu.sem_alloc : memref<!tpu.dma_semaphore, #tpu.memory_space<semaphore_mem>>
        %dma_start3A_136 = arith.constant 0 : i32
        %dma_start3A_137 = tpu.memref_slice %arg9[%run_scoped3A_66, %dma_start3A_136] : memref<8x128xi32, #tpu.memory_space<vmem>> -> memref<1x128xi32, #tpu.memory_space<vmem>>
        %dma_start3A_138 = tpu.memref_squeeze %dma_start3A_137 : memref<1x128xi32, #tpu.memory_space<vmem>> -> memref<128xi32, #tpu.memory_space<vmem>>
        %dma_start3A_139 = arith.constant 0 : i32
        %dma_start3A_140 = arith.constant 0 : i32
        %dma_start3A_141 = tpu.memref_slice %arg7[%dma_start3A_139, %dma_start3A_140] : memref<10240x128xf32, #tpu.memory_space<vmem_shared>> -> memref<10240x128xf32, #tpu.memory_space<vmem_shared>>
        tpu.enqueue_indirect_dma source(%arg10 : memref<128x128xf32, #tpu.memory_space<vmem>>) target(%dma_start3A_141 : memref<10240x128xf32, #tpu.memory_space<vmem_shared>>) offsets(%dma_start3A_138 : memref<128xi32, #tpu.memory_space<vmem>>) semaphore(%run_scoped3A_135 : memref<!tpu.dma_semaphore, #tpu.memory_space<semaphore_mem>>) {add = true}
        %dma_wait3A_142 = arith.constant 0 : i32
        %dma_wait3A_143 = tpu.memref_slice %arg9[%run_scoped3A_66, %dma_wait3A_142] : memref<8x128xi32, #tpu.memory_space<vmem>> -> memref<1x128xi32, #tpu.memory_space<vmem>>
        %dma_wait3A_144 = tpu.memref_squeeze %dma_wait3A_143 : memref<1x128xi32, #tpu.memory_space<vmem>> -> memref<128xi32, #tpu.memory_space<vmem>>
        %dma_wait3A_145 = arith.constant 0 : i32
        %dma_wait3A_146 = arith.constant 0 : i32
        %dma_wait3A_147 = tpu.memref_slice %arg7[%dma_wait3A_145, %dma_wait3A_146] : memref<10240x128xf32, #tpu.memory_space<vmem_shared>> -> memref<10240x128xf32, #tpu.memory_space<vmem_shared>>
        tpu.wait_indirect_dma semaphore(%run_scoped3A_135 : memref<!tpu.dma_semaphore, #tpu.memory_space<semaphore_mem>>) src(%arg10 : memref<128x128xf32, #tpu.memory_space<vmem>>) dst(%dma_wait3A_147 : memref<10240x128xf32, #tpu.memory_space<vmem_shared>>)
        tpu.yield
      }) : () -> ()
      %dma_wait3A_67 = arith.constant 3 : i32
      %dma_wait3A_68 = arith.constant 0 : i32
      %dma_wait3A_69 = tpu.memref_slice %arg8[%dma_wait3A_67, %dma_wait3A_68] : memref<8x128xi32, #tpu.memory_space<vmem>> -> memref<1x128xi32, #tpu.memory_space<vmem>>
      %dma_wait3A_70 = tpu.memref_squeeze %dma_wait3A_69 : memref<1x128xi32, #tpu.memory_space<vmem>> -> memref<128xi32, #tpu.memory_space<vmem>>
      %dma_wait3A_71 = arith.constant 0 : i32
      %dma_wait3A_72 = arith.constant 0 : i32
      %dma_wait3A_73 = tpu.memref_slice %arg2[%dma_wait3A_71, %dma_wait3A_72] : memref<10000x128xf32, #tpu.memory_space<hbm>> -> memref<10000x128xf32, #tpu.memory_space<hbm>>
      tpu.wait_indirect_dma semaphore(%arg13 : memref<!tpu.dma_semaphore, #tpu.memory_space<semaphore_mem>>) src(%dma_wait3A_73 : memref<10000x128xf32, #tpu.memory_space<hbm>>) dst(%arg11 : memref<128x128xf32, #tpu.memory_space<vmem>>)
      %dma_start3A_74 = arith.constant 4 : i32
      %dma_start3A_75 = arith.constant 0 : i32
      %dma_start3A_76 = tpu.memref_slice %arg8[%dma_start3A_74, %dma_start3A_75] : memref<8x128xi32, #tpu.memory_space<vmem>> -> memref<1x128xi32, #tpu.memory_space<vmem>>
      %dma_start3A_77 = tpu.memref_squeeze %dma_start3A_76 : memref<1x128xi32, #tpu.memory_space<vmem>> -> memref<128xi32, #tpu.memory_space<vmem>>
      %dma_start3A_78 = arith.constant 0 : i32
      %dma_start3A_79 = arith.constant 0 : i32
      %dma_start3A_80 = tpu.memref_slice %arg2[%dma_start3A_78, %dma_start3A_79] : memref<10000x128xf32, #tpu.memory_space<hbm>> -> memref<10000x128xf32, #tpu.memory_space<hbm>>
      tpu.enqueue_indirect_dma source(%dma_start3A_80 : memref<10000x128xf32, #tpu.memory_space<hbm>>) target(%arg10 : memref<128x128xf32, #tpu.memory_space<vmem>>) offsets(%dma_start3A_77 : memref<128xi32, #tpu.memory_space<vmem>>) semaphore(%arg12 : memref<!tpu.dma_semaphore, #tpu.memory_space<semaphore_mem>>)
      %run_scoped3A_81 = arith.constant 3 : i32
      "tpu.region"() ({
        %run_scoped3A_135 = tpu.sem_alloc : memref<!tpu.dma_semaphore, #tpu.memory_space<semaphore_mem>>
        %dma_start3A_136 = arith.constant 0 : i32
        %dma_start3A_137 = tpu.memref_slice %arg9[%run_scoped3A_81, %dma_start3A_136] : memref<8x128xi32, #tpu.memory_space<vmem>> -> memref<1x128xi32, #tpu.memory_space<vmem>>
        %dma_start3A_138 = tpu.memref_squeeze %dma_start3A_137 : memref<1x128xi32, #tpu.memory_space<vmem>> -> memref<128xi32, #tpu.memory_space<vmem>>
        %dma_start3A_139 = arith.constant 0 : i32
        %dma_start3A_140 = arith.constant 0 : i32
        %dma_start3A_141 = tpu.memref_slice %arg7[%dma_start3A_139, %dma_start3A_140] : memref<10240x128xf32, #tpu.memory_space<vmem_shared>> -> memref<10240x128xf32, #tpu.memory_space<vmem_shared>>
        tpu.enqueue_indirect_dma source(%arg11 : memref<128x128xf32, #tpu.memory_space<vmem>>) target(%dma_start3A_141 : memref<10240x128xf32, #tpu.memory_space<vmem_shared>>) offsets(%dma_start3A_138 : memref<128xi32, #tpu.memory_space<vmem>>) semaphore(%run_scoped3A_135 : memref<!tpu.dma_semaphore, #tpu.memory_space<semaphore_mem>>) {add = true}
        %dma_wait3A_142 = arith.constant 0 : i32
        %dma_wait3A_143 = tpu.memref_slice %arg9[%run_scoped3A_81, %dma_wait3A_142] : memref<8x128xi32, #tpu.memory_space<vmem>> -> memref<1x128xi32, #tpu.memory_space<vmem>>
        %dma_wait3A_144 = tpu.memref_squeeze %dma_wait3A_143 : memref<1x128xi32, #tpu.memory_space<vmem>> -> memref<128xi32, #tpu.memory_space<vmem>>
        %dma_wait3A_145 = arith.constant 0 : i32
        %dma_wait3A_146 = arith.constant 0 : i32
        %dma_wait3A_147 = tpu.memref_slice %arg7[%dma_wait3A_145, %dma_wait3A_146] : memref<10240x128xf32, #tpu.memory_space<vmem_shared>> -> memref<10240x128xf32, #tpu.memory_space<vmem_shared>>
        tpu.wait_indirect_dma semaphore(%run_scoped3A_135 : memref<!tpu.dma_semaphore, #tpu.memory_space<semaphore_mem>>) src(%arg11 : memref<128x128xf32, #tpu.memory_space<vmem>>) dst(%dma_wait3A_147 : memref<10240x128xf32, #tpu.memory_space<vmem_shared>>)
        tpu.yield
      }) : () -> ()
      %dma_wait3A_82 = arith.constant 4 : i32
      %dma_wait3A_83 = arith.constant 0 : i32
      %dma_wait3A_84 = tpu.memref_slice %arg8[%dma_wait3A_82, %dma_wait3A_83] : memref<8x128xi32, #tpu.memory_space<vmem>> -> memref<1x128xi32, #tpu.memory_space<vmem>>
      %dma_wait3A_85 = tpu.memref_squeeze %dma_wait3A_84 : memref<1x128xi32, #tpu.memory_space<vmem>> -> memref<128xi32, #tpu.memory_space<vmem>>
      %dma_wait3A_86 = arith.constant 0 : i32
      %dma_wait3A_87 = arith.constant 0 : i32
      %dma_wait3A_88 = tpu.memref_slice %arg2[%dma_wait3A_86, %dma_wait3A_87] : memref<10000x128xf32, #tpu.memory_space<hbm>> -> memref<10000x128xf32, #tpu.memory_space<hbm>>
      tpu.wait_indirect_dma semaphore(%arg12 : memref<!tpu.dma_semaphore, #tpu.memory_space<semaphore_mem>>) src(%dma_wait3A_88 : memref<10000x128xf32, #tpu.memory_space<hbm>>) dst(%arg10 : memref<128x128xf32, #tpu.memory_space<vmem>>)
      %dma_start3A_89 = arith.constant 5 : i32
      %dma_start3A_90 = arith.constant 0 : i32
      %dma_start3A_91 = tpu.memref_slice %arg8[%dma_start3A_89, %dma_start3A_90] : memref<8x128xi32, #tpu.memory_space<vmem>> -> memref<1x128xi32, #tpu.memory_space<vmem>>
      %dma_start3A_92 = tpu.memref_squeeze %dma_start3A_91 : memref<1x128xi32, #tpu.memory_space<vmem>> -> memref<128xi32, #tpu.memory_space<vmem>>
      %dma_start3A_93 = arith.constant 0 : i32
      %dma_start3A_94 = arith.constant 0 : i32
      %dma_start3A_95 = tpu.memref_slice %arg2[%dma_start3A_93, %dma_start3A_94] : memref<10000x128xf32, #tpu.memory_space<hbm>> -> memref<10000x128xf32, #tpu.memory_space<hbm>>
      tpu.enqueue_indirect_dma source(%dma_start3A_95 : memref<10000x128xf32, #tpu.memory_space<hbm>>) target(%arg11 : memref<128x128xf32, #tpu.memory_space<vmem>>) offsets(%dma_start3A_92 : memref<128xi32, #tpu.memory_space<vmem>>) semaphore(%arg13 : memref<!tpu.dma_semaphore, #tpu.memory_space<semaphore_mem>>)
      %run_scoped3A_96 = arith.constant 4 : i32
      "tpu.region"() ({
        %run_scoped3A_135 = tpu.sem_alloc : memref<!tpu.dma_semaphore, #tpu.memory_space<semaphore_mem>>
        %dma_start3A_136 = arith.constant 0 : i32
        %dma_start3A_137 = tpu.memref_slice %arg9[%run_scoped3A_96, %dma_start3A_136] : memref<8x128xi32, #tpu.memory_space<vmem>> -> memref<1x128xi32, #tpu.memory_space<vmem>>
        %dma_start3A_138 = tpu.memref_squeeze %dma_start3A_137 : memref<1x128xi32, #tpu.memory_space<vmem>> -> memref<128xi32, #tpu.memory_space<vmem>>
        %dma_start3A_139 = arith.constant 0 : i32
        %dma_start3A_140 = arith.constant 0 : i32
        %dma_start3A_141 = tpu.memref_slice %arg7[%dma_start3A_139, %dma_start3A_140] : memref<10240x128xf32, #tpu.memory_space<vmem_shared>> -> memref<10240x128xf32, #tpu.memory_space<vmem_shared>>
        tpu.enqueue_indirect_dma source(%arg10 : memref<128x128xf32, #tpu.memory_space<vmem>>) target(%dma_start3A_141 : memref<10240x128xf32, #tpu.memory_space<vmem_shared>>) offsets(%dma_start3A_138 : memref<128xi32, #tpu.memory_space<vmem>>) semaphore(%run_scoped3A_135 : memref<!tpu.dma_semaphore, #tpu.memory_space<semaphore_mem>>) {add = true}
        %dma_wait3A_142 = arith.constant 0 : i32
        %dma_wait3A_143 = tpu.memref_slice %arg9[%run_scoped3A_96, %dma_wait3A_142] : memref<8x128xi32, #tpu.memory_space<vmem>> -> memref<1x128xi32, #tpu.memory_space<vmem>>
        %dma_wait3A_144 = tpu.memref_squeeze %dma_wait3A_143 : memref<1x128xi32, #tpu.memory_space<vmem>> -> memref<128xi32, #tpu.memory_space<vmem>>
        %dma_wait3A_145 = arith.constant 0 : i32
        %dma_wait3A_146 = arith.constant 0 : i32
        %dma_wait3A_147 = tpu.memref_slice %arg7[%dma_wait3A_145, %dma_wait3A_146] : memref<10240x128xf32, #tpu.memory_space<vmem_shared>> -> memref<10240x128xf32, #tpu.memory_space<vmem_shared>>
        tpu.wait_indirect_dma semaphore(%run_scoped3A_135 : memref<!tpu.dma_semaphore, #tpu.memory_space<semaphore_mem>>) src(%arg10 : memref<128x128xf32, #tpu.memory_space<vmem>>) dst(%dma_wait3A_147 : memref<10240x128xf32, #tpu.memory_space<vmem_shared>>)
        tpu.yield
      }) : () -> ()
      %dma_wait3A_97 = arith.constant 5 : i32
      %dma_wait3A_98 = arith.constant 0 : i32
      %dma_wait3A_99 = tpu.memref_slice %arg8[%dma_wait3A_97, %dma_wait3A_98] : memref<8x128xi32, #tpu.memory_space<vmem>> -> memref<1x128xi32, #tpu.memory_space<vmem>>
      %dma_wait3A_100 = tpu.memref_squeeze %dma_wait3A_99 : memref<1x128xi32, #tpu.memory_space<vmem>> -> memref<128xi32, #tpu.memory_space<vmem>>
      %dma_wait3A_101 = arith.constant 0 : i32
      %dma_wait3A_102 = arith.constant 0 : i32
      %dma_wait3A_103 = tpu.memref_slice %arg2[%dma_wait3A_101, %dma_wait3A_102] : memref<10000x128xf32, #tpu.memory_space<hbm>> -> memref<10000x128xf32, #tpu.memory_space<hbm>>
      tpu.wait_indirect_dma semaphore(%arg13 : memref<!tpu.dma_semaphore, #tpu.memory_space<semaphore_mem>>) src(%dma_wait3A_103 : memref<10000x128xf32, #tpu.memory_space<hbm>>) dst(%arg11 : memref<128x128xf32, #tpu.memory_space<vmem>>)
      %dma_start3A_104 = arith.constant 6 : i32
      %dma_start3A_105 = arith.constant 0 : i32
      %dma_start3A_106 = tpu.memref_slice %arg8[%dma_start3A_104, %dma_start3A_105] : memref<8x128xi32, #tpu.memory_space<vmem>> -> memref<1x128xi32, #tpu.memory_space<vmem>>
      %dma_start3A_107 = tpu.memref_squeeze %dma_start3A_106 : memref<1x128xi32, #tpu.memory_space<vmem>> -> memref<128xi32, #tpu.memory_space<vmem>>
      %dma_start3A_108 = arith.constant 0 : i32
      %dma_start3A_109 = arith.constant 0 : i32
      %dma_start3A_110 = tpu.memref_slice %arg2[%dma_start3A_108, %dma_start3A_109] : memref<10000x128xf32, #tpu.memory_space<hbm>> -> memref<10000x128xf32, #tpu.memory_space<hbm>>
      tpu.enqueue_indirect_dma source(%dma_start3A_110 : memref<10000x128xf32, #tpu.memory_space<hbm>>) target(%arg10 : memref<128x128xf32, #tpu.memory_space<vmem>>) offsets(%dma_start3A_107 : memref<128xi32, #tpu.memory_space<vmem>>) semaphore(%arg12 : memref<!tpu.dma_semaphore, #tpu.memory_space<semaphore_mem>>)
      %run_scoped3A_111 = arith.constant 5 : i32
      "tpu.region"() ({
        %run_scoped3A_135 = tpu.sem_alloc : memref<!tpu.dma_semaphore, #tpu.memory_space<semaphore_mem>>
        %dma_start3A_136 = arith.constant 0 : i32
        %dma_start3A_137 = tpu.memref_slice %arg9[%run_scoped3A_111, %dma_start3A_136] : memref<8x128xi32, #tpu.memory_space<vmem>> -> memref<1x128xi32, #tpu.memory_space<vmem>>
        %dma_start3A_138 = tpu.memref_squeeze %dma_start3A_137 : memref<1x128xi32, #tpu.memory_space<vmem>> -> memref<128xi32, #tpu.memory_space<vmem>>
        %dma_start3A_139 = arith.constant 0 : i32
        %dma_start3A_140 = arith.constant 0 : i32
        %dma_start3A_141 = tpu.memref_slice %arg7[%dma_start3A_139, %dma_start3A_140] : memref<10240x128xf32, #tpu.memory_space<vmem_shared>> -> memref<10240x128xf32, #tpu.memory_space<vmem_shared>>
        tpu.enqueue_indirect_dma source(%arg11 : memref<128x128xf32, #tpu.memory_space<vmem>>) target(%dma_start3A_141 : memref<10240x128xf32, #tpu.memory_space<vmem_shared>>) offsets(%dma_start3A_138 : memref<128xi32, #tpu.memory_space<vmem>>) semaphore(%run_scoped3A_135 : memref<!tpu.dma_semaphore, #tpu.memory_space<semaphore_mem>>) {add = true}
        %dma_wait3A_142 = arith.constant 0 : i32
        %dma_wait3A_143 = tpu.memref_slice %arg9[%run_scoped3A_111, %dma_wait3A_142] : memref<8x128xi32, #tpu.memory_space<vmem>> -> memref<1x128xi32, #tpu.memory_space<vmem>>
        %dma_wait3A_144 = tpu.memref_squeeze %dma_wait3A_143 : memref<1x128xi32, #tpu.memory_space<vmem>> -> memref<128xi32, #tpu.memory_space<vmem>>
        %dma_wait3A_145 = arith.constant 0 : i32
        %dma_wait3A_146 = arith.constant 0 : i32
        %dma_wait3A_147 = tpu.memref_slice %arg7[%dma_wait3A_145, %dma_wait3A_146] : memref<10240x128xf32, #tpu.memory_space<vmem_shared>> -> memref<10240x128xf32, #tpu.memory_space<vmem_shared>>
        tpu.wait_indirect_dma semaphore(%run_scoped3A_135 : memref<!tpu.dma_semaphore, #tpu.memory_space<semaphore_mem>>) src(%arg11 : memref<128x128xf32, #tpu.memory_space<vmem>>) dst(%dma_wait3A_147 : memref<10240x128xf32, #tpu.memory_space<vmem_shared>>)
        tpu.yield
      }) : () -> ()
      %dma_wait3A_112 = arith.constant 6 : i32
      %dma_wait3A_113 = arith.constant 0 : i32
      %dma_wait3A_114 = tpu.memref_slice %arg8[%dma_wait3A_112, %dma_wait3A_113] : memref<8x128xi32, #tpu.memory_space<vmem>> -> memref<1x128xi32, #tpu.memory_space<vmem>>
      %dma_wait3A_115 = tpu.memref_squeeze %dma_wait3A_114 : memref<1x128xi32, #tpu.memory_space<vmem>> -> memref<128xi32, #tpu.memory_space<vmem>>
      %dma_wait3A_116 = arith.constant 0 : i32
      %dma_wait3A_117 = arith.constant 0 : i32
      %dma_wait3A_118 = tpu.memref_slice %arg2[%dma_wait3A_116, %dma_wait3A_117] : memref<10000x128xf32, #tpu.memory_space<hbm>> -> memref<10000x128xf32, #tpu.memory_space<hbm>>
      tpu.wait_indirect_dma semaphore(%arg12 : memref<!tpu.dma_semaphore, #tpu.memory_space<semaphore_mem>>) src(%dma_wait3A_118 : memref<10000x128xf32, #tpu.memory_space<hbm>>) dst(%arg10 : memref<128x128xf32, #tpu.memory_space<vmem>>)
      %dma_start3A_119 = arith.constant 7 : i32
      %dma_start3A_120 = arith.constant 0 : i32
      %dma_start3A_121 = tpu.memref_slice %arg8[%dma_start3A_119, %dma_start3A_120] : memref<8x128xi32, #tpu.memory_space<vmem>> -> memref<1x128xi32, #tpu.memory_space<vmem>>
      %dma_start3A_122 = tpu.memref_squeeze %dma_start3A_121 : memref<1x128xi32, #tpu.memory_space<vmem>> -> memref<128xi32, #tpu.memory_space<vmem>>
      %dma_start3A_123 = arith.constant 0 : i32
      %dma_start3A_124 = arith.constant 0 : i32
      %dma_start3A_125 = tpu.memref_slice %arg2[%dma_start3A_123, %dma_start3A_124] : memref<10000x128xf32, #tpu.memory_space<hbm>> -> memref<10000x128xf32, #tpu.memory_space<hbm>>
      tpu.enqueue_indirect_dma source(%dma_start3A_125 : memref<10000x128xf32, #tpu.memory_space<hbm>>) target(%arg11 : memref<128x128xf32, #tpu.memory_space<vmem>>) offsets(%dma_start3A_122 : memref<128xi32, #tpu.memory_space<vmem>>) semaphore(%arg13 : memref<!tpu.dma_semaphore, #tpu.memory_space<semaphore_mem>>)
      %run_scoped3A_126 = arith.constant 6 : i32
      "tpu.region"() ({
        %run_scoped3A_135 = tpu.sem_alloc : memref<!tpu.dma_semaphore, #tpu.memory_space<semaphore_mem>>
        %dma_start3A_136 = arith.constant 0 : i32
        %dma_start3A_137 = tpu.memref_slice %arg9[%run_scoped3A_126, %dma_start3A_136] : memref<8x128xi32, #tpu.memory_space<vmem>> -> memref<1x128xi32, #tpu.memory_space<vmem>>
        %dma_start3A_138 = tpu.memref_squeeze %dma_start3A_137 : memref<1x128xi32, #tpu.memory_space<vmem>> -> memref<128xi32, #tpu.memory_space<vmem>>
        %dma_start3A_139 = arith.constant 0 : i32
        %dma_start3A_140 = arith.constant 0 : i32
        %dma_start3A_141 = tpu.memref_slice %arg7[%dma_start3A_139, %dma_start3A_140] : memref<10240x128xf32, #tpu.memory_space<vmem_shared>> -> memref<10240x128xf32, #tpu.memory_space<vmem_shared>>
        tpu.enqueue_indirect_dma source(%arg10 : memref<128x128xf32, #tpu.memory_space<vmem>>) target(%dma_start3A_141 : memref<10240x128xf32, #tpu.memory_space<vmem_shared>>) offsets(%dma_start3A_138 : memref<128xi32, #tpu.memory_space<vmem>>) semaphore(%run_scoped3A_135 : memref<!tpu.dma_semaphore, #tpu.memory_space<semaphore_mem>>) {add = true}
        %dma_wait3A_142 = arith.constant 0 : i32
        %dma_wait3A_143 = tpu.memref_slice %arg9[%run_scoped3A_126, %dma_wait3A_142] : memref<8x128xi32, #tpu.memory_space<vmem>> -> memref<1x128xi32, #tpu.memory_space<vmem>>
        %dma_wait3A_144 = tpu.memref_squeeze %dma_wait3A_143 : memref<1x128xi32, #tpu.memory_space<vmem>> -> memref<128xi32, #tpu.memory_space<vmem>>
        %dma_wait3A_145 = arith.constant 0 : i32
        %dma_wait3A_146 = arith.constant 0 : i32
        %dma_wait3A_147 = tpu.memref_slice %arg7[%dma_wait3A_145, %dma_wait3A_146] : memref<10240x128xf32, #tpu.memory_space<vmem_shared>> -> memref<10240x128xf32, #tpu.memory_space<vmem_shared>>
        tpu.wait_indirect_dma semaphore(%run_scoped3A_135 : memref<!tpu.dma_semaphore, #tpu.memory_space<semaphore_mem>>) src(%arg10 : memref<128x128xf32, #tpu.memory_space<vmem>>) dst(%dma_wait3A_147 : memref<10240x128xf32, #tpu.memory_space<vmem_shared>>)
        tpu.yield
      }) : () -> ()
      %dma_wait3A_127 = arith.constant 7 : i32
      %dma_wait3A_128 = arith.constant 0 : i32
      %dma_wait3A_129 = tpu.memref_slice %arg8[%dma_wait3A_127, %dma_wait3A_128] : memref<8x128xi32, #tpu.memory_space<vmem>> -> memref<1x128xi32, #tpu.memory_space<vmem>>
      %dma_wait3A_130 = tpu.memref_squeeze %dma_wait3A_129 : memref<1x128xi32, #tpu.memory_space<vmem>> -> memref<128xi32, #tpu.memory_space<vmem>>
      %dma_wait3A_131 = arith.constant 0 : i32
      %dma_wait3A_132 = arith.constant 0 : i32
      %dma_wait3A_133 = tpu.memref_slice %arg2[%dma_wait3A_131, %dma_wait3A_132] : memref<10000x128xf32, #tpu.memory_space<hbm>> -> memref<10000x128xf32, #tpu.memory_space<hbm>>
      tpu.wait_indirect_dma semaphore(%arg13 : memref<!tpu.dma_semaphore, #tpu.memory_space<semaphore_mem>>) src(%dma_wait3A_133 : memref<10000x128xf32, #tpu.memory_space<hbm>>) dst(%arg11 : memref<128x128xf32, #tpu.memory_space<vmem>>)
      %run_scoped3A_134 = arith.constant 7 : i32
      "tpu.region"() ({
        %run_scoped3A_135 = tpu.sem_alloc : memref<!tpu.dma_semaphore, #tpu.memory_space<semaphore_mem>>
        %dma_start3A_136 = arith.constant 0 : i32
        %dma_start3A_137 = tpu.memref_slice %arg9[%run_scoped3A_134, %dma_start3A_136] : memref<8x128xi32, #tpu.memory_space<vmem>> -> memref<1x128xi32, #tpu.memory_space<vmem>>
        %dma_start3A_138 = tpu.memref_squeeze %dma_start3A_137 : memref<1x128xi32, #tpu.memory_space<vmem>> -> memref<128xi32, #tpu.memory_space<vmem>>
        %dma_start3A_139 = arith.constant 0 : i32
        %dma_start3A_140 = arith.constant 0 : i32
        %dma_start3A_141 = tpu.memref_slice %arg7[%dma_start3A_139, %dma_start3A_140] : memref<10240x128xf32, #tpu.memory_space<vmem_shared>> -> memref<10240x128xf32, #tpu.memory_space<vmem_shared>>
        tpu.enqueue_indirect_dma source(%arg11 : memref<128x128xf32, #tpu.memory_space<vmem>>) target(%dma_start3A_141 : memref<10240x128xf32, #tpu.memory_space<vmem_shared>>) offsets(%dma_start3A_138 : memref<128xi32, #tpu.memory_space<vmem>>) semaphore(%run_scoped3A_135 : memref<!tpu.dma_semaphore, #tpu.memory_space<semaphore_mem>>) {add = true}
        %dma_wait3A_142 = arith.constant 0 : i32
        %dma_wait3A_143 = tpu.memref_slice %arg9[%run_scoped3A_134, %dma_wait3A_142] : memref<8x128xi32, #tpu.memory_space<vmem>> -> memref<1x128xi32, #tpu.memory_space<vmem>>
        %dma_wait3A_144 = tpu.memref_squeeze %dma_wait3A_143 : memref<1x128xi32, #tpu.memory_space<vmem>> -> memref<128xi32, #tpu.memory_space<vmem>>
        %dma_wait3A_145 = arith.constant 0 : i32
        %dma_wait3A_146 = arith.constant 0 : i32
        %dma_wait3A_147 = tpu.memref_slice %arg7[%dma_wait3A_145, %dma_wait3A_146] : memref<10240x128xf32, #tpu.memory_space<vmem_shared>> -> memref<10240x128xf32, #tpu.memory_space<vmem_shared>>
        tpu.wait_indirect_dma semaphore(%run_scoped3A_135 : memref<!tpu.dma_semaphore, #tpu.memory_space<semaphore_mem>>) src(%arg11 : memref<128x128xf32, #tpu.memory_space<vmem>>) dst(%dma_wait3A_147 : memref<10240x128xf32, #tpu.memory_space<vmem_shared>>)
        tpu.yield
      }) : () -> ()
    }
    %scan3A_7 = arith.constant 10 : i32
    %barrier3A_8 = arith.constant 0 : index
    tpu.barrier barrier_id(%barrier3A_8)
    %mul3A_9 = arith.constant 640 : i32
    %mul3A_10 = arith.muli %arg1, %mul3A_9 : i32
    %mul3A_11 = arith.constant 640 : i32
    %mul3A_12 = arith.muli %arg1, %mul3A_11 : i32
    "tpu.region"() ({
      %run_scoped3A = tpu.sem_alloc : memref<!tpu.dma_semaphore, #tpu.memory_space<semaphore_mem>>
      %dma_start3A = arith.constant 0 : i32
      %dma_start3A_13 = tpu.memref_slice %arg6[%arg0, %mul3A_12, %dma_start3A] : memref<2x10240x128xf32, #tpu.memory_space<hbm>> -> memref<1x640x128xf32, #tpu.memory_space<hbm>>
      %dma_start3A_14 = tpu.memref_squeeze %dma_start3A_13 : memref<1x640x128xf32, #tpu.memory_space<hbm>> -> memref<640x128xf32, #tpu.memory_space<hbm>>
      %dma_start3A_15 = arith.constant 0 : i32
      %dma_start3A_16 = tpu.memref_slice %arg7[%mul3A_10, %dma_start3A_15] : memref<10240x128xf32, #tpu.memory_space<vmem_shared>> -> memref<640x128xf32, #tpu.memory_space<vmem_shared>>
      tpu.enqueue_dma source(%dma_start3A_16 : memref<640x128xf32, #tpu.memory_space<vmem_shared>>) target(%dma_start3A_14 : memref<640x128xf32, #tpu.memory_space<hbm>>) target_semaphore(%run_scoped3A : memref<!tpu.dma_semaphore, #tpu.memory_space<semaphore_mem>>)
      %dma_wait3A = arith.constant 0 : i32
      %dma_wait3A_17 = tpu.memref_slice %arg6[%arg0, %mul3A_12, %dma_wait3A] : memref<2x10240x128xf32, #tpu.memory_space<hbm>> -> memref<1x640x128xf32, #tpu.memory_space<hbm>>
      %dma_wait3A_18 = tpu.memref_squeeze %dma_wait3A_17 : memref<1x640x128xf32, #tpu.memory_space<hbm>> -> memref<640x128xf32, #tpu.memory_space<hbm>>
      %dma_wait3A_19 = arith.constant 0 : i32
      %dma_wait3A_20 = tpu.memref_slice %arg7[%mul3A_10, %dma_wait3A_19] : memref<10240x128xf32, #tpu.memory_space<vmem_shared>> -> memref<640x128xf32, #tpu.memory_space<vmem_shared>>
      tpu.wait_dma2 semaphore(%run_scoped3A : memref<!tpu.dma_semaphore, #tpu.memory_space<semaphore_mem>>) src(%dma_wait3A_20 : memref<640x128xf32, #tpu.memory_space<vmem_shared>>) dst(%dma_wait3A_18 : memref<640x128xf32, #tpu.memory_space<hbm>>)
      tpu.yield
    }) : () -> ()
    return
  }
}

module attributes {stable_mosaic.version = 14 : i64} {
  func.func @_stage1_body(%arg0: i32, %arg1: memref<2x1000x128xf32, #tpu.memory_space<vmem>>, %arg2: memref<2x1000x128xf32, #tpu.memory_space<vmem>>, %arg3: memref<1000x128xf32, #tpu.memory_space<vmem>>, %arg4: memref<128x128xf32, #tpu.memory_space<vmem>>, %arg5: memref<1x128xf32, #tpu.memory_space<vmem>>, %arg6: memref<128x128xf32, #tpu.memory_space<vmem>>, %arg7: memref<1000x128xf32, #tpu.memory_space<vmem>>) attributes {dimension_semantics = [#tpu.dimension_semantics<arbitrary>], iteration_bounds = array<i64: 10>, scalar_prefetch = 0 : i64, scratch_operands = 0 : i64, tpu.core_type = #tpu.core_type<tc>, window_params = [{transform_indices = @transform_0, window_bounds = array<i64: 2, 1000, 128>}, {transform_indices = @transform_1, window_bounds = array<i64: 2, 1000, 128>}, {transform_indices = @transform_2, window_bounds = array<i64: 1000, 128>}, {pipeline_mode = #tpu.pipeline_mode<synchronous>, transform_indices = @transform_3, window_bounds = array<i64: 128, 128>}, {pipeline_mode = #tpu.pipeline_mode<synchronous>, transform_indices = @transform_4, window_bounds = array<i64: 1, 128>}, {pipeline_mode = #tpu.pipeline_mode<synchronous>, transform_indices = @transform_5, window_bounds = array<i64: 128, 128>}, {transform_indices = @transform_6, window_bounds = array<i64: 1000, 128>}]} {
    %get3A = arith.constant 0 : index
    %get3A_0 = arith.constant 0 : index
    %get3A_1 = arith.constant 0 : index
    %get3A_2 = vector.load %arg1[%get3A, %get3A_0, %get3A_1] : memref<2x1000x128xf32, #tpu.memory_space<vmem>>, vector<1x1000x128xf32>
    %get3A_3 = vector.shape_cast %get3A_2 : vector<1x1000x128xf32> to vector<1000x128xf32>
    %get3A_4 = arith.constant 1 : index
    %get3A_5 = arith.constant 0 : index
    %get3A_6 = arith.constant 0 : index
    %get3A_7 = vector.load %arg1[%get3A_4, %get3A_5, %get3A_6] : memref<2x1000x128xf32, #tpu.memory_space<vmem>>, vector<1x1000x128xf32>
    %get3A_8 = vector.shape_cast %get3A_7 : vector<1x1000x128xf32> to vector<1000x128xf32>
    %add3A = arith.addf %get3A_3, %get3A_8 : vector<1000x128xf32>
    %get3A_9 = arith.constant 0 : index
    %get3A_10 = arith.constant 0 : index
    %get3A_11 = arith.constant 0 : index
    %get3A_12 = vector.load %arg2[%get3A_9, %get3A_10, %get3A_11] : memref<2x1000x128xf32, #tpu.memory_space<vmem>>, vector<1x1000x128xf32>
    %get3A_13 = vector.shape_cast %get3A_12 : vector<1x1000x128xf32> to vector<1000x128xf32>
    %get3A_14 = arith.constant 1 : index
    %get3A_15 = arith.constant 0 : index
    %get3A_16 = arith.constant 0 : index
    %get3A_17 = vector.load %arg2[%get3A_14, %get3A_15, %get3A_16] : memref<2x1000x128xf32, #tpu.memory_space<vmem>>, vector<1x1000x128xf32>
    %get3A_18 = vector.shape_cast %get3A_17 : vector<1x1000x128xf32> to vector<1000x128xf32>
    %add3A_19 = arith.addf %get3A_13, %get3A_18 : vector<1000x128xf32>
    %slice3A = vector.extract_strided_slice %add3A_19 {offsets = [0, 0], sizes = [1000, 1], strides = [1, 1]} : vector<1000x128xf32> to vector<1000x1xf32>
    %max3A = arith.constant 1.000000e+00 : f32
    %max3A_20 = vector.broadcast %max3A : f32 to vector<1000x1xf32>
    %max3A_21 = arith.maximumf %slice3A, %max3A_20 : vector<1000x1xf32>
    %div3A = vector.broadcast %max3A_21 : vector<1000x1xf32> to vector<1000x128xf32>
    %div3A_22 = arith.divf %add3A, %div3A : vector<1000x128xf32>
    %get3A_23 = arith.constant 0 : index
    %get3A_24 = arith.constant 0 : index
    %get3A_25 = vector.load %arg4[%get3A_23, %get3A_24] : memref<128x128xf32, #tpu.memory_space<vmem>>, vector<128x128xf32>
    %dot_general3A = arith.constant dense<0.000000e+00> : vector<1000x128xf32>
    %dot_general3A_26 = tpu.matmul %div3A_22, %get3A_25, %dot_general3A {dimension_numbers = #tpu.dot_dimension_numbers<[1], [0], [0], [1], [0, 0, 1, 1], [], []>, transpose_lhs_hint = false} : vector<1000x128xf32>, vector<128x128xf32>, vector<1000x128xf32> -> vector<1000x128xf32>
    %get3A_27 = arith.constant 0 : index
    %get3A_28 = arith.constant 0 : index
    %get3A_29 = vector.load %arg5[%get3A_27, %get3A_28] : memref<1x128xf32, #tpu.memory_space<vmem>>, vector<1x128xf32>
    %add3A_30 = vector.broadcast %get3A_29 : vector<1x128xf32> to vector<1000x128xf32>
    %add3A_31 = arith.addf %dot_general3A_26, %add3A_30 : vector<1000x128xf32>
    %get3A_32 = arith.constant 0 : index
    %get3A_33 = arith.constant 0 : index
    %get3A_34 = vector.load %arg3[%get3A_32, %get3A_33] : memref<1000x128xf32, #tpu.memory_space<vmem>>, vector<1000x128xf32>
    %get3A_35 = arith.constant 0 : index
    %get3A_36 = arith.constant 0 : index
    %get3A_37 = vector.load %arg6[%get3A_35, %get3A_36] : memref<128x128xf32, #tpu.memory_space<vmem>>, vector<128x128xf32>
    %dot_general3A_38 = arith.constant dense<0.000000e+00> : vector<1000x128xf32>
    %dot_general3A_39 = tpu.matmul %get3A_34, %get3A_37, %dot_general3A_38 {dimension_numbers = #tpu.dot_dimension_numbers<[1], [0], [0], [1], [0, 0, 1, 1], [], []>, transpose_lhs_hint = false} : vector<1000x128xf32>, vector<128x128xf32>, vector<1000x128xf32> -> vector<1000x128xf32>
    %add3A_40 = arith.addf %add3A_31, %dot_general3A_39 : vector<1000x128xf32>
    %max3A_41 = arith.constant 0.000000e+00 : f32
    %max3A_42 = vector.broadcast %max3A_41 : f32 to vector<1000x128xf32>
    %max3A_43 = arith.maximumf %add3A_40, %max3A_42 : vector<1000x128xf32>
    %swap3A = arith.constant 0 : index
    %swap3A_44 = arith.constant 0 : index
    %swap3A_45 = vector.load %arg7[%swap3A, %swap3A_44] : memref<1000x128xf32, #tpu.memory_space<vmem>>, vector<1000x128xf32>
    tpu.vector_store %arg7[%swap3A, %swap3A_44], %max3A_43 {strides = array<i32>} : memref<1000x128xf32, #tpu.memory_space<vmem>>, vector<1000x128xf32>,
    return
  }
  func.func @transform_0(%arg0: i32) -> (i32, i32, i32) {
    %c0_i32 = arith.constant 0 : i32
    %c0_i32_0 = arith.constant 0 : i32
    %c0_i32_1 = arith.constant 0 : i32
    return %c0_i32, %arg0, %c0_i32_0 : i32, i32, i32
  }
  func.func @transform_1(%arg0: i32) -> (i32, i32, i32) {
    %c0_i32 = arith.constant 0 : i32
    %c0_i32_0 = arith.constant 0 : i32
    %c0_i32_1 = arith.constant 0 : i32
    return %c0_i32, %arg0, %c0_i32_0 : i32, i32, i32
  }
  func.func @transform_2(%arg0: i32) -> (i32, i32) {
    %c0_i32 = arith.constant 0 : i32
    %c0_i32_0 = arith.constant 0 : i32
    return %arg0, %c0_i32 : i32, i32
  }
  func.func @transform_3(%arg0: i32) -> (i32, i32) {
    %c0_i32 = arith.constant 0 : i32
    %c0_i32_0 = arith.constant 0 : i32
    %c0_i32_1 = arith.constant 0 : i32
    return %c0_i32, %c0_i32_0 : i32, i32
  }
  func.func @transform_4(%arg0: i32) -> (i32, i32) {
    %c0_i32 = arith.constant 0 : i32
    %c0_i32_0 = arith.constant 0 : i32
    %c0_i32_1 = arith.constant 0 : i32
    return %c0_i32, %c0_i32_0 : i32, i32
  }
  func.func @transform_5(%arg0: i32) -> (i32, i32) {
    %c0_i32 = arith.constant 0 : i32
    %c0_i32_0 = arith.constant 0 : i32
    %c0_i32_1 = arith.constant 0 : i32
    return %c0_i32, %c0_i32_0 : i32, i32
  }
  func.func @transform_6(%arg0: i32) -> (i32, i32) {
    %c0_i32 = arith.constant 0 : i32
    %c0_i32_0 = arith.constant 0 : i32
    return %arg0, %c0_i32 : i32, i32
  }
}

module attributes {stable_mosaic.version = 14 : i64} {
  func.func @_stage2_body(%arg0: i32, %arg1: memref<2x1000x128xf32, #tpu.memory_space<vmem>>, %arg2: memref<2x1000x128xf32, #tpu.memory_space<vmem>>, %arg3: memref<1000x128xf32, #tpu.memory_space<vmem>>, %arg4: memref<128x128xf32, #tpu.memory_space<vmem>>, %arg5: memref<1x128xf32, #tpu.memory_space<vmem>>, %arg6: memref<128x128xf32, #tpu.memory_space<vmem>>, %arg7: memref<128x128xf32, #tpu.memory_space<vmem>>, %arg8: memref<1x128xf32, #tpu.memory_space<vmem>>, %arg9: memref<128x128xf32, #tpu.memory_space<vmem>>, %arg10: memref<1000x128xf32, #tpu.memory_space<vmem>>, %arg11: memref<1000x128xf32, #tpu.memory_space<vmem>>) attributes {dimension_semantics = [#tpu.dimension_semantics<arbitrary>], iteration_bounds = array<i64: 10>, scalar_prefetch = 0 : i64, scratch_operands = 0 : i64, tpu.core_type = #tpu.core_type<tc>, window_params = [{transform_indices = @transform_0, window_bounds = array<i64: 2, 1000, 128>}, {transform_indices = @transform_1, window_bounds = array<i64: 2, 1000, 128>}, {transform_indices = @transform_2, window_bounds = array<i64: 1000, 128>}, {pipeline_mode = #tpu.pipeline_mode<synchronous>, transform_indices = @transform_3, window_bounds = array<i64: 128, 128>}, {pipeline_mode = #tpu.pipeline_mode<synchronous>, transform_indices = @transform_4, window_bounds = array<i64: 1, 128>}, {pipeline_mode = #tpu.pipeline_mode<synchronous>, transform_indices = @transform_5, window_bounds = array<i64: 128, 128>}, {pipeline_mode = #tpu.pipeline_mode<synchronous>, transform_indices = @transform_6, window_bounds = array<i64: 128, 128>}, {pipeline_mode = #tpu.pipeline_mode<synchronous>, transform_indices = @transform_7, window_bounds = array<i64: 1, 128>}, {pipeline_mode = #tpu.pipeline_mode<synchronous>, transform_indices = @transform_8, window_bounds = array<i64: 128, 128>}, {transform_indices = @transform_9, window_bounds = array<i64: 1000, 128>}, {transform_indices = @transform_10, window_bounds = array<i64: 1000, 128>}]} {
    %get3A = arith.constant 0 : index
    %get3A_0 = arith.constant 0 : index
    %get3A_1 = arith.constant 0 : index
    %get3A_2 = vector.load %arg1[%get3A, %get3A_0, %get3A_1] : memref<2x1000x128xf32, #tpu.memory_space<vmem>>, vector<1x1000x128xf32>
    %get3A_3 = vector.shape_cast %get3A_2 : vector<1x1000x128xf32> to vector<1000x128xf32>
    %get3A_4 = arith.constant 1 : index
    %get3A_5 = arith.constant 0 : index
    %get3A_6 = arith.constant 0 : index
    %get3A_7 = vector.load %arg1[%get3A_4, %get3A_5, %get3A_6] : memref<2x1000x128xf32, #tpu.memory_space<vmem>>, vector<1x1000x128xf32>
    %get3A_8 = vector.shape_cast %get3A_7 : vector<1x1000x128xf32> to vector<1000x128xf32>
    %add3A = arith.addf %get3A_3, %get3A_8 : vector<1000x128xf32>
    %get3A_9 = arith.constant 0 : index
    %get3A_10 = arith.constant 0 : index
    %get3A_11 = arith.constant 0 : index
    %get3A_12 = vector.load %arg2[%get3A_9, %get3A_10, %get3A_11] : memref<2x1000x128xf32, #tpu.memory_space<vmem>>, vector<1x1000x128xf32>
    %get3A_13 = vector.shape_cast %get3A_12 : vector<1x1000x128xf32> to vector<1000x128xf32>
    %get3A_14 = arith.constant 1 : index
    %get3A_15 = arith.constant 0 : index
    %get3A_16 = arith.constant 0 : index
    %get3A_17 = vector.load %arg2[%get3A_14, %get3A_15, %get3A_16] : memref<2x1000x128xf32, #tpu.memory_space<vmem>>, vector<1x1000x128xf32>
    %get3A_18 = vector.shape_cast %get3A_17 : vector<1x1000x128xf32> to vector<1000x128xf32>
    %add3A_19 = arith.addf %get3A_13, %get3A_18 : vector<1000x128xf32>
    %slice3A = vector.extract_strided_slice %add3A_19 {offsets = [0, 0], sizes = [1000, 1], strides = [1, 1]} : vector<1000x128xf32> to vector<1000x1xf32>
    %max3A = arith.constant 1.000000e+00 : f32
    %max3A_20 = vector.broadcast %max3A : f32 to vector<1000x1xf32>
    %max3A_21 = arith.maximumf %slice3A, %max3A_20 : vector<1000x1xf32>
    %div3A = vector.broadcast %max3A_21 : vector<1000x1xf32> to vector<1000x128xf32>
    %div3A_22 = arith.divf %add3A, %div3A : vector<1000x128xf32>
    %get3A_23 = arith.constant 0 : index
    %get3A_24 = arith.constant 0 : index
    %get3A_25 = vector.load %arg3[%get3A_23, %get3A_24] : memref<1000x128xf32, #tpu.memory_space<vmem>>, vector<1000x128xf32>
    %get3A_26 = arith.constant 0 : index
    %get3A_27 = arith.constant 0 : index
    %get3A_28 = vector.load %arg4[%get3A_26, %get3A_27] : memref<128x128xf32, #tpu.memory_space<vmem>>, vector<128x128xf32>
    %dot_general3A = arith.constant dense<0.000000e+00> : vector<1000x128xf32>
    %dot_general3A_29 = tpu.matmul %div3A_22, %get3A_28, %dot_general3A {dimension_numbers = #tpu.dot_dimension_numbers<[1], [0], [0], [1], [0, 0, 1, 1], [], []>, transpose_lhs_hint = false} : vector<1000x128xf32>, vector<128x128xf32>, vector<1000x128xf32> -> vector<1000x128xf32>
    %get3A_30 = arith.constant 0 : index
    %get3A_31 = arith.constant 0 : index
    %get3A_32 = vector.load %arg5[%get3A_30, %get3A_31] : memref<1x128xf32, #tpu.memory_space<vmem>>, vector<1x128xf32>
    %add3A_33 = vector.broadcast %get3A_32 : vector<1x128xf32> to vector<1000x128xf32>
    %add3A_34 = arith.addf %dot_general3A_29, %add3A_33 : vector<1000x128xf32>
    %get3A_35 = arith.constant 0 : index
    %get3A_36 = arith.constant 0 : index
    %get3A_37 = vector.load %arg6[%get3A_35, %get3A_36] : memref<128x128xf32, #tpu.memory_space<vmem>>, vector<128x128xf32>
    %dot_general3A_38 = arith.constant dense<0.000000e+00> : vector<1000x128xf32>
    %dot_general3A_39 = tpu.matmul %get3A_25, %get3A_37, %dot_general3A_38 {dimension_numbers = #tpu.dot_dimension_numbers<[1], [0], [0], [1], [0, 0, 1, 1], [], []>, transpose_lhs_hint = false} : vector<1000x128xf32>, vector<128x128xf32>, vector<1000x128xf32> -> vector<1000x128xf32>
    %add3A_40 = arith.addf %add3A_34, %dot_general3A_39 : vector<1000x128xf32>
    %get3A_41 = arith.constant 0 : index
    %get3A_42 = arith.constant 0 : index
    %get3A_43 = vector.load %arg7[%get3A_41, %get3A_42] : memref<128x128xf32, #tpu.memory_space<vmem>>, vector<128x128xf32>
    %dot_general3A_44 = arith.constant dense<0.000000e+00> : vector<1000x128xf32>
    %dot_general3A_45 = tpu.matmul %div3A_22, %get3A_43, %dot_general3A_44 {dimension_numbers = #tpu.dot_dimension_numbers<[1], [0], [0], [1], [0, 0, 1, 1], [], []>, transpose_lhs_hint = false} : vector<1000x128xf32>, vector<128x128xf32>, vector<1000x128xf32> -> vector<1000x128xf32>
    %get3A_46 = arith.constant 0 : index
    %get3A_47 = arith.constant 0 : index
    %get3A_48 = vector.load %arg8[%get3A_46, %get3A_47] : memref<1x128xf32, #tpu.memory_space<vmem>>, vector<1x128xf32>
    %add3A_49 = vector.broadcast %get3A_48 : vector<1x128xf32> to vector<1000x128xf32>
    %add3A_50 = arith.addf %dot_general3A_45, %add3A_49 : vector<1000x128xf32>
    %get3A_51 = arith.constant 0 : index
    %get3A_52 = arith.constant 0 : index
    %get3A_53 = vector.load %arg9[%get3A_51, %get3A_52] : memref<128x128xf32, #tpu.memory_space<vmem>>, vector<128x128xf32>
    %dot_general3A_54 = arith.constant dense<0.000000e+00> : vector<1000x128xf32>
    %dot_general3A_55 = tpu.matmul %get3A_25, %get3A_53, %dot_general3A_54 {dimension_numbers = #tpu.dot_dimension_numbers<[1], [0], [0], [1], [0, 0, 1, 1], [], []>, transpose_lhs_hint = false} : vector<1000x128xf32>, vector<128x128xf32>, vector<1000x128xf32> -> vector<1000x128xf32>
    %add3A_56 = arith.addf %add3A_50, %dot_general3A_55 : vector<1000x128xf32>
    %min3A = arith.constant 1.000000e+01 : f32
    %min3A_57 = vector.broadcast %min3A : f32 to vector<1000x128xf32>
    %min3A_58 = arith.minimumf %add3A_56, %min3A_57 : vector<1000x128xf32>
    %get3A_59 = arith.constant 0 : index
    %get3A_60 = arith.constant 0 : index
    %get3A_61 = vector.load %arg10[%get3A_59, %get3A_60] : memref<1000x128xf32, #tpu.memory_space<vmem>>, vector<1000x128xf32>
    %exp3A = math.exp %min3A_58 : vector<1000x128xf32>
    %mul3A = arith.mulf %get3A_61, %exp3A : vector<1000x128xf32>
    %add3A_62 = arith.addf %add3A_40, %mul3A : vector<1000x128xf32>
    %swap3A = arith.constant 0 : index
    %swap3A_63 = arith.constant 0 : index
    %swap3A_64 = vector.load %arg11[%swap3A, %swap3A_63] : memref<1000x128xf32, #tpu.memory_space<vmem>>, vector<1000x128xf32>
    tpu.vector_store %arg11[%swap3A, %swap3A_63], %add3A_62 {strides = array<i32>} : memref<1000x128xf32, #tpu.memory_space<vmem>>, vector<1000x128xf32>,
    return
  }
  func.func @transform_0(%arg0: i32) -> (i32, i32, i32) {
    %c0_i32 = arith.constant 0 : i32
    %c0_i32_0 = arith.constant 0 : i32
    %c0_i32_1 = arith.constant 0 : i32
    return %c0_i32, %arg0, %c0_i32_0 : i32, i32, i32
  }
  func.func @transform_1(%arg0: i32) -> (i32, i32, i32) {
    %c0_i32 = arith.constant 0 : i32
    %c0_i32_0 = arith.constant 0 : i32
    %c0_i32_1 = arith.constant 0 : i32
    return %c0_i32, %arg0, %c0_i32_0 : i32, i32, i32
  }
  func.func @transform_2(%arg0: i32) -> (i32, i32) {
    %c0_i32 = arith.constant 0 : i32
    %c0_i32_0 = arith.constant 0 : i32
    return %arg0, %c0_i32 : i32, i32
  }
  func.func @transform_3(%arg0: i32) -> (i32, i32) {
    %c0_i32 = arith.constant 0 : i32
    %c0_i32_0 = arith.constant 0 : i32
    %c0_i32_1 = arith.constant 0 : i32
    return %c0_i32, %c0_i32_0 : i32, i32
  }
  func.func @transform_4(%arg0: i32) -> (i32, i32) {
    %c0_i32 = arith.constant 0 : i32
    %c0_i32_0 = arith.constant 0 : i32
    %c0_i32_1 = arith.constant 0 : i32
    return %c0_i32, %c0_i32_0 : i32, i32
  }
  func.func @transform_5(%arg0: i32) -> (i32, i32) {
    %c0_i32 = arith.constant 0 : i32
    %c0_i32_0 = arith.constant 0 : i32
    %c0_i32_1 = arith.constant 0 : i32
    return %c0_i32, %c0_i32_0 : i32, i32
  }
  func.func @transform_6(%arg0: i32) -> (i32, i32) {
    %c0_i32 = arith.constant 0 : i32
    %c0_i32_0 = arith.constant 0 : i32
    %c0_i32_1 = arith.constant 0 : i32
    return %c0_i32, %c0_i32_0 : i32, i32
  }
  func.func @transform_7(%arg0: i32) -> (i32, i32) {
    %c0_i32 = arith.constant 0 : i32
    %c0_i32_0 = arith.constant 0 : i32
    %c0_i32_1 = arith.constant 0 : i32
    return %c0_i32, %c0_i32_0 : i32, i32
  }
  func.func @transform_8(%arg0: i32) -> (i32, i32) {
    %c0_i32 = arith.constant 0 : i32
    %c0_i32_0 = arith.constant 0 : i32
    %c0_i32_1 = arith.constant 0 : i32
    return %c0_i32, %c0_i32_0 : i32, i32
  }
  func.func @transform_9(%arg0: i32) -> (i32, i32) {
    %c0_i32 = arith.constant 0 : i32
    %c0_i32_0 = arith.constant 0 : i32
    return %arg0, %c0_i32 : i32, i32
  }
  func.func @transform_10(%arg0: i32) -> (i32, i32) {
    %c0_i32 = arith.constant 0 : i32
    %c0_i32_0 = arith.constant 0 : i32
    return %arg0, %c0_i32 : i32, i32
  }
}

</mosaic_0001>

<sc_bundles>
// kernel: kernel.6.cloned.1.call-start
scs
__scs_entry_jumppad:
0x0: {  	(pc) =	sbr.rel $0x88, $3  }
0x1: {  	(tag) =	ssettag $0x0;
	lr =	simm.s32 $0x1  }
0x2: {  	[smem:$0x3F96] =	sst lr;
	_ =	strace $0xD0000000  }
0x3: {  	_ = 	snop  }
0x4: {  	_ = 	snop  }
0x5: {  	_ = 	snop  }
0x6: {  	_ = 	snop  }
0x7: {  	_ = 	snop  }
__scs_overlays_trampoline_lowered:
0x8: {  	[smem:$0x3FA5] =	sst s0  }
0x9: {  	[smem:$0x3FA6] =	sst s1  }
0xa: {  	[smem:$0x3FA7] =	sst s2  }
0xb: {  	[smem:$0x3FA8] =	sst s3  }
0xc: {  	[smem:$0x3FA9] =	sst s4  }
0xd: {  	[smem:$0x3FAA] =	sst s5  }
0xe: {  	[smem:$0x3FAB] =	sst s6  }
0xf: {  	[smem:$0x3FAC] =	sst s7  }
0x10: {  	[smem:$0x3FAD] =	sst s8  }
0x11: {  	[smem:$0x3FAE] =	sst s9;
	s0 =	simm.s32 @!p0 $0x0  }
0x12: {  	s1 =	sld [smem:$0x3F94];
	s0 =	simm.s32 @p0 $0x1  }
0x13: {  	[smem:$0x3FAF] =	sst s0;
	s0 =	simm.s32 @!p1 $0x0  }
0x14: {  	s2 =	sld [smem:$0x3F93];
	s0 =	simm.s32 @p1 $0x1  }
0x15: {  	[smem:$0x3FB0] =	sst s0;
	s0 =	simm.s32 @!p2 $0x0  }
0x16: {  	s3 =	sld [smem:$0x3FDB];
	s0 =	simm.s32 @p2 $0x1  }
0x17: {  	s4 =	simm.s32 $0x1BF5;
	[smem:$0x3FB2] =	sst s0  }
0x18: {  	s0 =	sld [smem:$0x3F95];
	_ =	swait.ge [sflag:s4], $0x0  }
0x19: {  	s7 =	sld [smem:$0x3F96]  }
0x1a: {  	s8 =	sadd.s32 $0xFFFFE003, lr  }
0x1b: {  	s9 =	sadd.s32 $0xFFFFFEF7, lr;
	s5 =	simm.s32 $0xFFFFFFFF;
	p2 =	slt.u32 s8, $0xFFFFF086  }
0x1c: {  	p1 =	slt.u32 s9, $0xF7A;
	s5 =	simm.s32 @!p2 $0x0  }
0x1d: {  	s5 =	simm.s32 @p1 $0x1;
	p0 =	seq.s32 s7, s2  }
0x1e: {  	s7 =	smul.u32 @!p0 $0xF7A, s2;
	p2 =	seq.s32 @!p0 s5, $0x0  }
0x1f: {  	s9 =	smul.u32 $0xF7A, s1;
	s8 =	simm.s32 @!p0 $0x1BF5;
	p2 =	por !p2, p0  }
0x20: {  	[sflag:s8] =	ssyncset.s32 @!p0 $0xFFFFF086;
	s6 =	sadd.s32 @!p0 s3, s7;
	s7 =	simm.s32 @!p0 $0x108  }
0x21: {  	s3 =	sadd.s32 s3, s9;
	s6 =	sadd.s32 @!p0 $0x88, s6;
	s7 =	simm.s32 @p2 $0x1082  }
0x22: {  	[simem:s7], [sflag:s8] =	dma.local @!p0 [hbm:s6], $0xF7A  }
0x23: {  	s9 =	sor.u32 $0xD0000000, s2;
	s6 =	simm.s32 $0x108;
	_ =	swait.ge @!p0 [sflag:s8], $0x0  }
0x24: {  	s3 =	sadd.s32 $0x88, s3;
	s6 =	simm.s32 @!p1 $0x1082;
	[sflag:s4] =	ssyncset.s32 $0xFFFFF086  }
0x25: {  	[simem:s6], [sflag:s4] =	dma.local [hbm:s3], $0xF7A  }
0x26: {  	[smem:$0x3F96] =	sst s1;
	(tag) =	ssettag s2;
	_ =	strace s9  }
0x27: {  	s1 =	sld [smem:$0x3FA6]  }
0x28: {  	s2 =	sld [smem:$0x3FA7]  }
0x29: {  	s4 =	sld [smem:$0x3FA9]  }
0x2a: {  	p0 =	seq.s32 s5, $0x0;
	s5 =	sld [smem:$0x3FAA]  }
0x2b: {  	s6 =	sld [smem:$0x3FAB]  }
0x2c: {  	s7 =	sld [smem:$0x3FAC]  }
0x2d: {  	s3 =	simm.s32 $0x108;
	s8 =	sld [smem:$0x3FAD]  }
0x2e: {  	s3 =	simm.s32 @!p0 $0x1082;
	s9 =	sld [smem:$0x3FAE]  }
0x2f: {  	lr =	sadd.s32 s0, s3;
	s0 =	sld [smem:$0x3FA5]  }
0x30: {  	s3 =	sld [smem:$0x3FA8]  }
0x31: {  	[smem:$0x3FB1] =	sst s10  }
0x32: {  	s10 =	sld [smem:$0x3FAF];
	_ =	sdelay $0x3  }
0x33: {  	p0 =	seq.s32 s10, $0x1;
	s10 =	sld [smem:$0x3FB1];
	_ =	sdelay $0x3  }
0x34: {  	[smem:$0x3FB1] =	sst s10  }
0x35: {  	s10 =	sld [smem:$0x3FB0];
	_ =	sdelay $0x3  }
0x36: {  	p1 =	seq.s32 s10, $0x1;
	s10 =	sld [smem:$0x3FB1];
	_ =	sdelay $0x3  }
0x37: {  	[smem:$0x3FB1] =	sst s10  }
0x38: {  	s10 =	sld [smem:$0x3FB2]  }
0x39: {  	_ = 	snop;
	(pc) =	sbr.ind lr, $3  }
0x3a: {  	_ = 	snop  }
0x3b: {  	_ = 	snop  }
0x3c: {  	p2 =	seq.s32 s10, $0x1;
	s10 =	sld [smem:$0x3FB1]  }
0x3d: {  	_ =	shalt  }
0x3e: {  	_ =	shalt  }
0x3f: {  	_ =	shalt  }
0x40: {  	_ =	shalt  }
0x41: {  	_ =	shalt  }
0x42: {  	_ =	shalt  }
0x43: {  	_ =	shalt  }
0x44: {  	_ =	shalt  }
0x45: {  	_ =	shalt  }
0x46: {  	_ =	shalt  }
0x47: {  	_ =	shalt  }
0x48: {  	_ =	shalt  }
0x49: {  	_ =	shalt  }
0x4a: {  	_ =	shalt  }
0x4b: {  	_ =	shalt  }
0x4c: {  	_ =	shalt  }
0x4d: {  	_ =	shalt  }
0x4e: {  	_ =	shalt  }
0x4f: {  	_ =	shalt  }
0x50: {  	_ =	shalt  }
0x51: {  	_ =	shalt  }
0x52: {  	_ =	shalt  }
0x53: {  	_ =	shalt  }
0x54: {  	_ =	shalt  }
0x55: {  	_ =	shalt  }
0x56: {  	_ =	shalt  }
0x57: {  	_ =	shalt  }
0x58: {  	_ =	shalt  }
0x59: {  	_ =	shalt  }
0x5a: {  	_ =	shalt  }
0x5b: {  	_ =	shalt  }
0x5c: {  	_ =	shalt  }
0x5d: {  	_ =	shalt  }
0x5e: {  	_ =	shalt  }
0x5f: {  	_ =	shalt  }
0x60: {  	_ =	shalt  }
0x61: {  	_ =	shalt  }
0x62: {  	_ =	shalt  }
0x63: {  	_ =	shalt  }
0x64: {  	_ =	shalt  }
0x65: {  	_ =	shalt  }
0x66: {  	_ =	shalt  }
0x67: {  	_ =	shalt  }
0x68: {  	_ =	shalt  }
0x69: {  	_ =	shalt  }
0x6a: {  	_ =	shalt  }
0x6b: {  	_ =	shalt  }
0x6c: {  	_ =	shalt  }
0x6d: {  	_ =	shalt  }
0x6e: {  	_ =	shalt  }
0x6f: {  	_ =	shalt  }
0x70: {  	_ =	shalt  }
0x71: {  	_ =	shalt  }
0x72: {  	_ =	shalt  }
0x73: {  	_ =	shalt  }
0x74: {  	_ =	shalt  }
0x75: {  	_ =	shalt  }
0x76: {  	_ =	shalt  }
0x77: {  	_ =	shalt  }
0x78: {  	_ =	shalt  }
0x79: {  	_ =	shalt  }
0x7a: {  	_ =	shalt  }
0x7b: {  	_ =	shalt  }
0x7c: {  	_ =	shalt  }
0x7d: {  	_ =	shalt  }
0x7e: {  	_ =	shalt  }
0x7f: {  	_ =	shalt  }
0x80: {  	_ =	shalt  }
0x81: {  	_ =	shalt  }
0x82: {  	_ =	shalt  }
0x83: {  	_ =	shalt  }
0x84: {  	_ =	shalt  }
0x85: {  	_ =	shalt  }
0x86: {  	_ =	shalt  }
0x87: {  	_ =	shalt  }
.Lfunc_end0:
.L_simem_size_0:
called_computation_lowered:
.L_overlay_start_0:
0x88: {  	s2 =	sld [smem:$0x3FD9]  }
0x89: {  	s3 =	sld [smem:$0x3FFE];
	_ =	sdelay $0x1  }
0x8a: {  	s1 =	srdreg.scid  }
0x8b: {  	s0 =	sand.u32 $0x1, s1  }
0x8c: {  	s17 =	sshll.u32 s0, $0xA;
	s2 =	sadd.s32 s3, s2  }
0x8d: {  	s2 =	sadd.s32 s2, s17  }
0x8e: {  	[smem:$0x3FBD] =	sst s2  }
0x8f: {  	_ = 	snop  }
0x90: {  	s2 =	sld [smem:$0x3FC9]  }
0x91: {  	s18 =	sld [smem:$0x3FD0];
	(tm) =	ssettm $0x1  }
0x92: {  	s4 =	sld [smem:$0x3FFB];
	_ =	sdelay $0x3  }
0x93: {  	_ =	strace s4  }
0x94: {  	s4 =	sld [smem:$0x3FFC];
	_ =	sdelay $0x3  }
0x95: {  	_ =	strace s4  }
0x96: {  	s4 =	sld [smem:$0x3FFD];
	_ =	sdelay $0x3  }
0x97: {  	_ =	strace s4  }
0x98: {  	_ =	strace $0x8FFFFFFF  }
0x99: {  	s19 =	sld [smem:$0x3FDB];
	_ =	sdelay $0x1  }
0x9a: {  	s5 =	simm.s32 $_scs_section_size  }
0x9b: {  	s6 =	simm.s32 $_size__tile_overlayer_lowered;
	s7 =	simm.s32 $_tile_overlayer_lowered  }
0x9c: {  	s22 =	simm.s32 $0x1BFF;
	s21 =	sshll.u32 s7, $0x1;
	s4 =	sadd.s32 s5, s19  }
0x9d: {  	s8 =	simm.s32 $0x0;
	s20 =	sshll.u32 s6, $0x1;
	s6 =	sadd.s32 s21, s4  }
0x9e: {  	[timem:s8], [sflag:s22] =	dma.local [hbm:s6], s20  }
0x9f: {  	_ =	swait.ge [sflag:s22], s20  }
0xa0: {  	s5 =	ssub.s32 $0x0, s20;
	[sflag:s22] =	ssyncset.done $0x0  }
0xa1: {  	[sflag:s22] =	ssyncadd.s32 s5;
	_ =	sdelay $0x1  }
0xa2: {  	s23 =	simm.s32 $0x1B8B  }
0xa3: {  	_ =	swait.ge [sflag:s23], $0x1  }
0xa4: {  	[sflag:s23] =	ssyncset.done $0x0  }
0xa5: {  	s25 =	simm.s32 $0x1B8E;
	s24 =	sld [smem:$0x3FFE];
	[sflag:s23] =	ssyncadd.s32 $0xFFFFFFFF  }
0xa6: {  	s26 =	simm.s32 $execute0_lowered;
	[smem:$0x3FD2] =	sst s25  }
0xa7: {  	s6 =	sshll.u32 s26, $0x1;
	_ =	strace $0x80000046;
	[dreg:$0x1] =	wrdreg $0xFFFFFFFF  }
0xa8: {  	s28 =	simm.s32 $_size_execute0_lowered;
	s4 =	sadd.s32 s4, s6;
	[dreg:$0x0] =	wrdreg $0x0  }
0xa9: {  	s6 =	sshll.u32 s28, $0x1;
	[dreg:$0x2] =	wrdreg s4  }
0xaa: {  	[dreg:$0x3] =	wrdreg s6  }
0xab: {  	[dreg:$0x4] =	wrdreg $0xC0  }
0xac: {  	_ =	task [dreg:s8], $0x5FFFF  }
0xad: {  	[dreg:$0x1] =	wrdreg $0xFFFFFFFF  }
0xae: {  	[dreg:$0x0] =	wrdreg $0x60  }
0xaf: {  	[dreg:$0x2] =	wrdreg s2  }
0xb0: {  	[dreg:$0x3] =	wrdreg s24  }
0xb1: {  	[dreg:$0x4] =	wrdreg s18  }
0xb2: {  	[dreg:$0x5] =	wrdreg $0x0  }
0xb3: {  	[dreg:$0x6] =	wrdreg $0x9  }
0xb4: {  	_ =	task.clear_ibuf [dreg:s8], $0x7FFFF;
	_ =	strace $0x90000046  }
0xb5: {  	s29 =	simm.s32 $0x9;
	_ =	strace $0x80000048  }
0xb6: {  	_ =	swait.ge [sflag:s29], $0x1  }
0xb7: {  	[sflag:s29] =	ssyncadd.s32 $0xFFFFFFFF  }
0xb8: {  	_ =	strace $0x90000048  }
0xb9: {  	_ =	sfence  }
0xba: {  	s30 =	sld [smem:$0x0];
	_ =	sdelay $0x2  }
0xbb: {  	s31 =	sshll.u32 s1, $0xD;
	s1 =	sshrl.u32 s1, $0x2  }
0xbc: {  	s3 =	sand.u32 $0x4000, s31;
	s1 =	sadd.s32 s1, s30  }
0xbd: {  	s0 =	sor.u32 s3, s0;
	s1 =	sshll.u32 s1, $0x11  }
0xbe: {  	s0 =	sor.u32 s1, s0  }
0xbf: {  	s0 =	sadd.s32 $0x8F2B, s0  }
0xc0: {  	[sflag:s0] =	ssyncadd.remote.s32 $0x1  }
0xc1: {  	_ =	sfence.sel $0xFFFF  }
0xc2: {  	[dreg:$0x0] =	wrdreg $0xFFFFFFFF;
	(pc) =	sbr.abs _section_cstart, $3  }
0xc3: {  	[dreg:$0x1] =	wrdreg $0xFFFFFFFF  }
0xc4: {  	_ =	task.clear_ibuf [dreg:s8], $0x2FFFF;
	_ =	strace $0x9FFFFFFF  }
0xc5: {  	(tm) =	ssettm $0x7FFFFFFF  }
tec
execute0_lowered:
.L_overlay_start_1:
0x0: {  	(tag) =	ssettag $0x1  }
0x1: {  	s1 =	rddreg [dreg:$0x0];
	s0 =	srdreg.scid  }
0x2: {  	s9 =	stileid.u32;
	s2 =	rddreg [dreg:$0x1]  }
0x3: {  	s4 =	rddreg [dreg:$0x3];
	s5 =	simm.s32 $0x0;
	s13 =	simm.s32 $0x3  }
0x4: {  	s14 =	simm.s32 $0x14000;
	s15 =	simm.s32 $0x14400;
	s16 =	simm.s32 $0x80  }
0x5: {  	s17 =	simm.s32 $0x14800;
	s18 =	simm.s32 $0x1;
	s28 =	simm.s32 $0x14580  }
0x6: {  	s29 =	simm.s32 $0x14280;
	s30 =	simm.s32 $0x14600;
	s3 =	smul.u32 $0x5000, s9  }
0x7: {  	s31 =	simm.s32 $0x14300;
	s0 =	sand.u32 $0x1, s0;
	s8 =	smul.u32 $0x14000, s9  }
0x8: {  	[smem:$0x7FF] =	sst s5;
	s20 =	smul.u32 $0x50000, s9;
	s21 =	sadd.s32 $0x16800, s2  }
0x9: {  	s23 =	sshll.u32 s9, $0x6;
	s9 =	simm.s32 $0x0;
	s6 =	smul.u32 $0x2800, s0  }
0xa: {  	s7 =	smul.u32 $0x140000, s0;
	_ =	strace $0x80000047;
	s0 =	ssub.s32 $0x2, s0  }
0xb: {  	[dreg:$0x6] =	wrdreg s21;
	s21 =	simm.s32 $0x2;
	s22 =	sshrl.u32 s0, $0x1  }
0xc: {  	s3 =	sadd.s32 s6, s3;
	s19 =	sadd.s32 s8, s7;
	s7 =	sshrl.u32 s20, $0x2  }
0xd: {  	s0 =	ssub.s32 s0, s22;
	s20 =	simm.s32 $0x18800;
	s22 =	simm.s32 $0x14100  }
0xe: {  	s8 =	simm.s32 $0x14780;
	s3 =	sshrl.u32 s3, $0x3;
	s6 =	sshrl.u32 s19, $0x3  }
0xf: {  	s24 =	sadd.s32 s7, s4;
	s7 =	sor.u32 $0x1C03, s23;
	s0 =	smax.u32 s0, $0x1  }
0x10: {  	s19 =	simm.s32 $0x14080;
	s3 =	sadd.s32 s3, s2;
	[dreg:$0xa] =	wrdreg s0  }
0x11: {  	s2 =	sadd.s32 s6, s2;
	s10 =	sshrl.u32 s24, $0x3;
	[dreg:$0x7] =	wrdreg s7  }
0x12: {  	s23 =	simm.s32 $0x14480;
	s25 =	sadd.s32 $0x19000, s2;
	[dreg:$0xb] =	wrdreg s10  }
0x13: {  	s24 =	simm.s32 $0x14180;
	s2 =	sadd.s32 $0x69000, s2;
	[dreg:$0x8] =	wrdreg s25  }
0x14: {  	s0 =	simm.s32 $0x14380;
	s26 =	sadd.s32 $0xC800, s3;
	[dreg:$0x9] =	wrdreg s2  }
0x15: {  	s11 =	sadd.s32 $0x2800, s3;
	s3 =	simm.s32 $0x14700;
	[dreg:$0x5] =	wrdreg s26  }
0x16: {  	s25 =	simm.s32 $0x14500;
	s26 =	simm.s32 $0x14200;
	s2 =	simm.s32 $0x14680  }
.LBB2_1:
0x17: {  	s6 =	rddreg [dreg:$0x6]  }
0x18: {  	[spmem:s10], [sflag:s7] =	dma.local [hbm:s6], $0x2800  }
0x19: {  	_ =	swait.ge [sflag:s13], $0x2800  }
0x1a: {  	[sflag:s13] =	ssyncset.done $0x0  }
0x1b: {  	[sflag:s13] =	ssyncadd.s32 $0xFFFFD800  }
0x1c: {  	[bflag:$0x0] =	sbarrier.arrive $0xFFFF  }
0x1d: {  	s10 =	rddreg [dreg:$0x5]  }
0x1e: {  	s6 =	sadd.s32 $0x0, s10  }
0x1f: {  	[tilespmem:s14], [sflag:$0x3] =	stream.linear.gather [hbm4b:s6+s5], $0x400, $0x38;
	[tilespmem:$0x1C800] =	vst v63  }
0x20: {  	_ =	swait.ge [sflag:s13], $0x400  }
0x21: {  	[sflag:s13] =	ssyncset.done $0x0  }
0x22: {  	s12 =	sadd.s32 $0x0, s11;
	[sflag:s13] =	ssyncadd.s32 $0xFFFFFC00  }
0x23: {  	[tilespmem:s15], [sflag:$0x3] =	stream.linear.gather [hbm4b:s12+s5], $0x400, $0x38;
	[tilespmem:$0x1C800] =	vst v63  }
0x24: {  	_ =	swait.ge [sflag:s13], $0x400  }
0x25: {  	[sflag:s13] =	ssyncset.done $0x0  }
0x26: {  	[sflag:s13] =	ssyncadd.s32 $0xFFFFFC00  }
0x27: {  	[tilespmem:s17], [sflag:$0x1] =	stream.indirect.gather [hbm4b:s1+s16], $0x80, s14, s16, $0xb8;
	[tilespmem:$0x1C800] =	vst v63  }
0x28: {  	_ =	swait.ge [sflag:s18], $0x4000  }
0x29: {  	[sflag:s18] =	ssyncset.done $0x0  }
0x2a: {  	[sflag:s18] =	ssyncadd.s32 $0xFFFFC000  }
0x2b: {  	[tilespmem:s20], [sflag:$0x2] =	stream.indirect.gather [hbm4b:s1+s16], $0x80, s19, s16, $0xb8;
	[tilespmem:$0x1C800] =	vst v63  }
0x2c: {  	_ = 	snop  }
0x2d: {  	[spmem:s4] =	stream.indirect.scatter.add.f32 [tilespmem:s17], [sflag:$0x3], $0x80, s15, s16, $0xb8;
	[tilespmem:$0x1C800] =	vst v63  }
0x2e: {  	_ =	swait.ge [sflag:s13], $0x4000  }
0x2f: {  	[sflag:s13] =	ssyncset.done $0x0  }
0x30: {  	[sflag:s13] =	ssyncadd.s32 $0xFFFFC000  }
0x31: {  	_ =	swait.ge [sflag:s21], $0x4000  }
0x32: {  	[sflag:s21] =	ssyncset.done $0x0  }
0x33: {  	[sflag:s21] =	ssyncadd.s32 $0xFFFFC000  }
0x34: {  	[tilespmem:s17], [sflag:$0x1] =	stream.indirect.gather [hbm4b:s1+s16], $0x80, s22, s16, $0xb8;
	[tilespmem:$0x1C800] =	vst v63  }
0x35: {  	_ = 	snop  }
0x36: {  	[spmem:s4] =	stream.indirect.scatter.add.f32 [tilespmem:s20], [sflag:$0x3], $0x80, s23, s16, $0xb8;
	[tilespmem:$0x1C800] =	vst v63  }
0x37: {  	_ =	swait.ge [sflag:s13], $0x4000  }
0x38: {  	[sflag:s13] =	ssyncset.done $0x0  }
0x39: {  	[sflag:s13] =	ssyncadd.s32 $0xFFFFC000  }
0x3a: {  	_ =	swait.ge [sflag:s18], $0x4000  }
0x3b: {  	[sflag:s18] =	ssyncset.done $0x0  }
0x3c: {  	[sflag:s18] =	ssyncadd.s32 $0xFFFFC000  }
0x3d: {  	[tilespmem:s20], [sflag:$0x2] =	stream.indirect.gather [hbm4b:s1+s16], $0x80, s24, s16, $0xb8;
	[tilespmem:$0x1C800] =	vst v63  }
0x3e: {  	_ = 	snop  }
0x3f: {  	[spmem:s4] =	stream.indirect.scatter.add.f32 [tilespmem:s17], [sflag:$0x3], $0x80, s25, s16, $0xb8;
	[tilespmem:$0x1C800] =	vst v63  }
0x40: {  	_ =	swait.ge [sflag:s13], $0x4000  }
0x41: {  	[sflag:s13] =	ssyncset.done $0x0  }
0x42: {  	[sflag:s13] =	ssyncadd.s32 $0xFFFFC000  }
0x43: {  	_ =	swait.ge [sflag:s21], $0x4000  }
0x44: {  	[sflag:s21] =	ssyncset.done $0x0  }
0x45: {  	[sflag:s21] =	ssyncadd.s32 $0xFFFFC000  }
0x46: {  	[tilespmem:s17], [sflag:$0x1] =	stream.indirect.gather [hbm4b:s1+s16], $0x80, s26, s16, $0xb8;
	[tilespmem:$0x1C800] =	vst v63  }
0x47: {  	_ = 	snop  }
0x48: {  	[spmem:s4] =	stream.indirect.scatter.add.f32 [tilespmem:s20], [sflag:$0x3], $0x80, s28, s16, $0xb8;
	[tilespmem:$0x1C800] =	vst v63  }
0x49: {  	_ =	swait.ge [sflag:s13], $0x4000  }
0x4a: {  	[sflag:s13] =	ssyncset.done $0x0  }
0x4b: {  	[sflag:s13] =	ssyncadd.s32 $0xFFFFC000  }
0x4c: {  	_ =	swait.ge [sflag:s18], $0x4000  }
0x4d: {  	[sflag:s18] =	ssyncset.done $0x0  }
0x4e: {  	[sflag:s18] =	ssyncadd.s32 $0xFFFFC000  }
0x4f: {  	[tilespmem:s20], [sflag:$0x2] =	stream.indirect.gather [hbm4b:s1+s16], $0x80, s29, s16, $0xb8;
	[tilespmem:$0x1C800] =	vst v63  }
0x50: {  	_ = 	snop  }
0x51: {  	[spmem:s4] =	stream.indirect.scatter.add.f32 [tilespmem:s17], [sflag:$0x3], $0x80, s30, s16, $0xb8;
	[tilespmem:$0x1C800] =	vst v63  }
0x52: {  	_ =	swait.ge [sflag:s13], $0x4000  }
0x53: {  	[sflag:s13] =	ssyncset.done $0x0  }
0x54: {  	[sflag:s13] =	ssyncadd.s32 $0xFFFFC000  }
0x55: {  	_ =	swait.ge [sflag:s21], $0x4000  }
0x56: {  	[sflag:s21] =	ssyncset.done $0x0  }
0x57: {  	[sflag:s21] =	ssyncadd.s32 $0xFFFFC000  }
0x58: {  	[tilespmem:s17], [sflag:$0x1] =	stream.indirect.gather [hbm4b:s1+s16], $0x80, s31, s16, $0xb8;
	[tilespmem:$0x1C800] =	vst v63  }
0x59: {  	_ = 	snop  }
0x5a: {  	[spmem:s4] =	stream.indirect.scatter.add.f32 [tilespmem:s20], [sflag:$0x3], $0x80, s2, s16, $0xb8;
	[tilespmem:$0x1C800] =	vst v63  }
0x5b: {  	_ =	swait.ge [sflag:s13], $0x4000  }
0x5c: {  	[sflag:s13] =	ssyncset.done $0x0  }
0x5d: {  	[sflag:s13] =	ssyncadd.s32 $0xFFFFC000  }
0x5e: {  	_ =	swait.ge [sflag:s18], $0x4000  }
0x5f: {  	[sflag:s18] =	ssyncset.done $0x0  }
0x60: {  	[sflag:s18] =	ssyncadd.s32 $0xFFFFC000  }
0x61: {  	[tilespmem:s20], [sflag:$0x2] =	stream.indirect.gather [hbm4b:s1+s16], $0x80, s0, s16, $0xb8;
	[tilespmem:$0x1C800] =	vst v63  }
0x62: {  	_ = 	snop  }
0x63: {  	[spmem:s4] =	stream.indirect.scatter.add.f32 [tilespmem:s17], [sflag:$0x3], $0x80, s3, s16, $0xb8;
	[tilespmem:$0x1C800] =	vst v63  }
0x64: {  	_ =	swait.ge [sflag:s13], $0x4000  }
0x65: {  	[sflag:s13] =	ssyncset.done $0x0  }
0x66: {  	[sflag:s13] =	ssyncadd.s32 $0xFFFFC000  }
0x67: {  	_ =	swait.ge [sflag:s21], $0x4000  }
0x68: {  	[sflag:s21] =	ssyncset.done $0x0  }
0x69: {  	[sflag:s21] =	ssyncadd.s32 $0xFFFFC000  }
0x6a: {  	[spmem:s4] =	stream.indirect.scatter.add.f32 [tilespmem:s20], [sflag:$0x3], $0x80, s8, s16, $0xb8;
	[tilespmem:$0x1C800] =	vst v63  }
0x6b: {  	s10 =	simm.s32 $0x80;
	_ =	swait.ge [sflag:s13], $0x4000  }
0x6c: {  	s6 =	simm.s32 $0x100;
	s7 =	rddreg [dreg:$0x5];
	[sflag:s13] =	ssyncset.done $0x0  }
.LBB2_2:
0x6d: {  	[sflag:s13] =	ssyncadd.s32 $0xFFFFC000;
	s7 =	sadd.s32 s10, s7  }
0x6e: {  	[tilespmem:s14], [sflag:$0x3] =	stream.linear.gather [hbm4b:s7+s5], $0x400, $0x38;
	[tilespmem:$0x1C800] =	vst v63  }
0x6f: {  	_ =	swait.ge [sflag:s13], $0x400  }
0x70: {  	[sflag:s13] =	ssyncset.done $0x0  }
0x71: {  	s7 =	sadd.s32 s10, s11;
	[sflag:s13] =	ssyncadd.s32 $0xFFFFFC00  }
0x72: {  	[tilespmem:s15], [sflag:$0x3] =	stream.linear.gather [hbm4b:s7+s5], $0x400, $0x38;
	[tilespmem:$0x1C800] =	vst v63  }
0x73: {  	_ =	swait.ge [sflag:s13], $0x400  }
0x74: {  	[sflag:s13] =	ssyncset.done $0x0  }
0x75: {  	[sflag:s13] =	ssyncadd.s32 $0xFFFFFC00  }
0x76: {  	[tilespmem:s17], [sflag:$0x1] =	stream.indirect.gather [hbm4b:s1+s16], $0x80, s14, s16, $0xb8;
	[tilespmem:$0x1C800] =	vst v63  }
0x77: {  	_ =	swait.ge [sflag:s18], $0x4000  }
0x78: {  	[sflag:s18] =	ssyncset.done $0x0  }
0x79: {  	[sflag:s18] =	ssyncadd.s32 $0xFFFFC000  }
0x7a: {  	[tilespmem:s20], [sflag:$0x2] =	stream.indirect.gather [hbm4b:s1+s16], $0x80, s19, s16, $0xb8;
	[tilespmem:$0x1C800] =	vst v63  }
0x7b: {  	_ = 	snop  }
0x7c: {  	[spmem:s4] =	stream.indirect.scatter.add.f32 [tilespmem:s17], [sflag:$0x3], $0x80, s15, s16, $0xb8;
	[tilespmem:$0x1C800] =	vst v63  }
0x7d: {  	_ =	swait.ge [sflag:s13], $0x4000  }
0x7e: {  	[sflag:s13] =	ssyncset.done $0x0  }
0x7f: {  	[sflag:s13] =	ssyncadd.s32 $0xFFFFC000  }
0x80: {  	_ =	swait.ge [sflag:s21], $0x4000  }
0x81: {  	[sflag:s21] =	ssyncset.done $0x0  }
0x82: {  	[sflag:s21] =	ssyncadd.s32 $0xFFFFC000  }
0x83: {  	[tilespmem:s17], [sflag:$0x1] =	stream.indirect.gather [hbm4b:s1+s16], $0x80, s22, s16, $0xb8;
	[tilespmem:$0x1C800] =	vst v63  }
0x84: {  	_ = 	snop  }
0x85: {  	[spmem:s4] =	stream.indirect.scatter.add.f32 [tilespmem:s20], [sflag:$0x3], $0x80, s23, s16, $0xb8;
	[tilespmem:$0x1C800] =	vst v63  }
0x86: {  	_ =	swait.ge [sflag:s13], $0x4000  }
0x87: {  	[sflag:s13] =	ssyncset.done $0x0  }
0x88: {  	[sflag:s13] =	ssyncadd.s32 $0xFFFFC000  }
0x89: {  	_ =	swait.ge [sflag:s18], $0x4000  }
0x8a: {  	[sflag:s18] =	ssyncset.done $0x0  }
0x8b: {  	[sflag:s18] =	ssyncadd.s32 $0xFFFFC000  }
0x8c: {  	[tilespmem:s20], [sflag:$0x2] =	stream.indirect.gather [hbm4b:s1+s16], $0x80, s24, s16, $0xb8;
	[tilespmem:$0x1C800] =	vst v63  }
0x8d: {  	_ = 	snop  }
0x8e: {  	[spmem:s4] =	stream.indirect.scatter.add.f32 [tilespmem:s17], [sflag:$0x3], $0x80, s25, s16, $0xb8;
	[tilespmem:$0x1C800] =	vst v63  }
0x8f: {  	_ =	swait.ge [sflag:s13], $0x4000  }
0x90: {  	[sflag:s13] =	ssyncset.done $0x0  }
0x91: {  	[sflag:s13] =	ssyncadd.s32 $0xFFFFC000  }
0x92: {  	_ =	swait.ge [sflag:s21], $0x4000  }
0x93: {  	[sflag:s21] =	ssyncset.done $0x0  }
0x94: {  	[sflag:s21] =	ssyncadd.s32 $0xFFFFC000  }
0x95: {  	[tilespmem:s17], [sflag:$0x1] =	stream.indirect.gather [hbm4b:s1+s16], $0x80, s26, s16, $0xb8;
	[tilespmem:$0x1C800] =	vst v63  }
0x96: {  	_ = 	snop  }
0x97: {  	[spmem:s4] =	stream.indirect.scatter.add.f32 [tilespmem:s20], [sflag:$0x3], $0x80, s28, s16, $0xb8;
	[tilespmem:$0x1C800] =	vst v63  }
0x98: {  	_ =	swait.ge [sflag:s13], $0x4000  }
0x99: {  	[sflag:s13] =	ssyncset.done $0x0  }
0x9a: {  	[sflag:s13] =	ssyncadd.s32 $0xFFFFC000  }
0x9b: {  	_ =	swait.ge [sflag:s18], $0x4000  }
0x9c: {  	[sflag:s18] =	ssyncset.done $0x0  }
0x9d: {  	[sflag:s18] =	ssyncadd.s32 $0xFFFFC000  }
0x9e: {  	[tilespmem:s20], [sflag:$0x2] =	stream.indirect.gather [hbm4b:s1+s16], $0x80, s29, s16, $0xb8;
	[tilespmem:$0x1C800] =	vst v63  }
0x9f: {  	_ = 	snop  }
0xa0: {  	[spmem:s4] =	stream.indirect.scatter.add.f32 [tilespmem:s17], [sflag:$0x3], $0x80, s30, s16, $0xb8;
	[tilespmem:$0x1C800] =	vst v63  }
0xa1: {  	_ =	swait.ge [sflag:s13], $0x4000  }
0xa2: {  	[sflag:s13] =	ssyncset.done $0x0  }
0xa3: {  	[sflag:s13] =	ssyncadd.s32 $0xFFFFC000  }
0xa4: {  	_ =	swait.ge [sflag:s21], $0x4000  }
0xa5: {  	[sflag:s21] =	ssyncset.done $0x0  }
0xa6: {  	[sflag:s21] =	ssyncadd.s32 $0xFFFFC000  }
0xa7: {  	[tilespmem:s17], [sflag:$0x1] =	stream.indirect.gather [hbm4b:s1+s16], $0x80, s31, s16, $0xb8;
	[tilespmem:$0x1C800] =	vst v63  }
0xa8: {  	_ = 	snop  }
0xa9: {  	[spmem:s4] =	stream.indirect.scatter.add.f32 [tilespmem:s20], [sflag:$0x3], $0x80, s2, s16, $0xb8;
	[tilespmem:$0x1C800] =	vst v63  }
0xaa: {  	_ =	swait.ge [sflag:s13], $0x4000  }
0xab: {  	[sflag:s13] =	ssyncset.done $0x0  }
0xac: {  	[sflag:s13] =	ssyncadd.s32 $0xFFFFC000  }
0xad: {  	_ =	swait.ge [sflag:s18], $0x4000  }
0xae: {  	[sflag:s18] =	ssyncset.done $0x0  }
0xaf: {  	[sflag:s18] =	ssyncadd.s32 $0xFFFFC000  }
0xb0: {  	[tilespmem:s20], [sflag:$0x2] =	stream.indirect.gather [hbm4b:s1+s16], $0x80, s0, s16, $0xb8;
	[tilespmem:$0x1C800] =	vst v63  }
0xb1: {  	_ = 	snop  }
0xb2: {  	[spmem:s4] =	stream.indirect.scatter.add.f32 [tilespmem:s17], [sflag:$0x3], $0x80, s3, s16, $0xb8;
	[tilespmem:$0x1C800] =	vst v63  }
0xb3: {  	_ =	swait.ge [sflag:s13], $0x4000  }
0xb4: {  	[sflag:s13] =	ssyncset.done $0x0  }
0xb5: {  	[sflag:s13] =	ssyncadd.s32 $0xFFFFC000  }
0xb6: {  	p0 =	sne.s32 s6, $0x480;
	_ =	swait.ge [sflag:s21], $0x4000  }
.Ltmp0:
0xb7: {  	[sflag:s21] =	ssyncset.done $0x0;
	(pc) =	sbr.rel @p0 .LBB2_2-.Ltmp0, $4  }
0xb8: {  	[sflag:s21] =	ssyncadd.s32 $0xFFFFC000  }
0xb9: {  	[spmem:s4] =	stream.indirect.scatter.add.f32 [tilespmem:s20], [sflag:$0x3], $0x80, s8, s16, $0xb8;
	[tilespmem:$0x1C800] =	vst v63  }
0xba: {  	s12 =	smov.u32 s6;
	s6 =	sadd.s32 $0x80, s6;
	_ =	swait.ge [sflag:s13], $0x4000  }
0xbb: {  	s10 =	smov.u32 s12;
	s7 =	rddreg [dreg:$0x5];
	[sflag:s13] =	ssyncset.done $0x0  }
0xbc: {  	[sflag:s13] =	ssyncadd.s32 $0xFFFFC000;
	s6 =	sadd.s32 s10, s7  }
0xbd: {  	[tilespmem:s14], [sflag:$0x3] =	stream.linear.gather [hbm4b:s6+s5], $0x400, $0x38;
	[tilespmem:$0x1C800] =	vst v63  }
0xbe: {  	_ =	swait.ge [sflag:s13], $0x400  }
0xbf: {  	[sflag:s13] =	ssyncset.done $0x0  }
0xc0: {  	s10 =	sadd.s32 s10, s11;
	[sflag:s13] =	ssyncadd.s32 $0xFFFFFC00  }
0xc1: {  	[tilespmem:s15], [sflag:$0x3] =	stream.linear.gather [hbm4b:s10+s5], $0x400, $0x38;
	[tilespmem:$0x1C800] =	vst v63  }
0xc2: {  	_ =	swait.ge [sflag:s13], $0x400  }
0xc3: {  	[sflag:s13] =	ssyncset.done $0x0  }
0xc4: {  	[sflag:s13] =	ssyncadd.s32 $0xFFFFFC00  }
0xc5: {  	[tilespmem:s17], [sflag:$0x1] =	stream.indirect.gather [hbm4b:s1+s16], $0x80, s14, s16, $0xb8;
	[tilespmem:$0x1C800] =	vst v63  }
0xc6: {  	_ =	swait.ge [sflag:s18], $0x4000  }
0xc7: {  	[sflag:s18] =	ssyncset.done $0x0  }
0xc8: {  	[sflag:s18] =	ssyncadd.s32 $0xFFFFC000  }
0xc9: {  	[tilespmem:s20], [sflag:$0x2] =	stream.indirect.gather [hbm4b:s1+s16], $0x80, s19, s16, $0xb8;
	[tilespmem:$0x1C800] =	vst v63  }
0xca: {  	_ = 	snop  }
0xcb: {  	[spmem:s4] =	stream.indirect.scatter.add.f32 [tilespmem:s17], [sflag:$0x3], $0x80, s15, s16, $0xb8;
	[tilespmem:$0x1C800] =	vst v63  }
0xcc: {  	_ =	swait.ge [sflag:s13], $0x4000  }
0xcd: {  	[sflag:s13] =	ssyncset.done $0x0  }
0xce: {  	[sflag:s13] =	ssyncadd.s32 $0xFFFFC000  }
0xcf: {  	_ =	swait.ge [sflag:s21], $0x4000  }
0xd0: {  	[sflag:s21] =	ssyncset.done $0x0  }
0xd1: {  	[sflag:s21] =	ssyncadd.s32 $0xFFFFC000  }
0xd2: {  	[tilespmem:s17], [sflag:$0x1] =	stream.indirect.gather [hbm4b:s1+s16], $0x80, s22, s16, $0xb8;
	[tilespmem:$0x1C800] =	vst v63  }
0xd3: {  	_ = 	snop  }
0xd4: {  	[spmem:s4] =	stream.indirect.scatter.add.f32 [tilespmem:s20], [sflag:$0x3], $0x80, s23, s16, $0xb8;
	[tilespmem:$0x1C800] =	vst v63  }
0xd5: {  	_ =	swait.ge [sflag:s13], $0x4000  }
0xd6: {  	[sflag:s13] =	ssyncset.done $0x0  }
0xd7: {  	[sflag:s13] =	ssyncadd.s32 $0xFFFFC000  }
0xd8: {  	_ =	swait.ge [sflag:s18], $0x4000  }
0xd9: {  	[sflag:s18] =	ssyncset.done $0x0  }
0xda: {  	[sflag:s18] =	ssyncadd.s32 $0xFFFFC000  }
0xdb: {  	[tilespmem:s20], [sflag:$0x2] =	stream.indirect.gather [hbm4b:s1+s16], $0x80, s24, s16, $0xb8;
	[tilespmem:$0x1C800] =	vst v63  }
0xdc: {  	_ = 	snop  }
0xdd: {  	[spmem:s4] =	stream.indirect.scatter.add.f32 [tilespmem:s17], [sflag:$0x3], $0x80, s25, s16, $0xb8;
	[tilespmem:$0x1C800] =	vst v63  }
0xde: {  	_ =	swait.ge [sflag:s13], $0x4000  }
0xdf: {  	[sflag:s13] =	ssyncset.done $0x0  }
0xe0: {  	[sflag:s13] =	ssyncadd.s32 $0xFFFFC000  }
0xe1: {  	_ =	swait.ge [sflag:s21], $0x4000  }
0xe2: {  	[sflag:s21] =	ssyncset.done $0x0  }
0xe3: {  	[sflag:s21] =	ssyncadd.s32 $0xFFFFC000  }
0xe4: {  	[tilespmem:s17], [sflag:$0x1] =	stream.indirect.gather [hbm4b:s1+s16], $0x80, s26, s16, $0xb8;
	[tilespmem:$0x1C800] =	vst v63  }
0xe5: {  	_ = 	snop  }
0xe6: {  	[spmem:s4] =	stream.indirect.scatter.add.f32 [tilespmem:s20], [sflag:$0x3], $0x80, s28, s16, $0xb8;
	[tilespmem:$0x1C800] =	vst v63  }
0xe7: {  	_ =	swait.ge [sflag:s13], $0x4000  }
0xe8: {  	[sflag:s13] =	ssyncset.done $0x0  }
0xe9: {  	[sflag:s13] =	ssyncadd.s32 $0xFFFFC000  }
0xea: {  	_ =	swait.ge [sflag:s18], $0x4000  }
0xeb: {  	[sflag:s18] =	ssyncset.done $0x0  }
0xec: {  	[sflag:s18] =	ssyncadd.s32 $0xFFFFC000  }
0xed: {  	[tilespmem:s20], [sflag:$0x2] =	stream.indirect.gather [hbm4b:s1+s16], $0x80, s29, s16, $0xb8;
	[tilespmem:$0x1C800] =	vst v63  }
0xee: {  	_ = 	snop  }
0xef: {  	[spmem:s4] =	stream.indirect.scatter.add.f32 [tilespmem:s17], [sflag:$0x3], $0x80, s30, s16, $0xb8;
	[tilespmem:$0x1C800] =	vst v63  }
0xf0: {  	_ =	swait.ge [sflag:s13], $0x4000  }
0xf1: {  	[sflag:s13] =	ssyncset.done $0x0  }
0xf2: {  	[sflag:s13] =	ssyncadd.s32 $0xFFFFC000  }
0xf3: {  	_ =	swait.ge [sflag:s21], $0x4000  }
0xf4: {  	[sflag:s21] =	ssyncset.done $0x0  }
0xf5: {  	[sflag:s21] =	ssyncadd.s32 $0xFFFFC000  }
0xf6: {  	[tilespmem:s17], [sflag:$0x1] =	stream.indirect.gather [hbm4b:s1+s16], $0x80, s31, s16, $0xb8;
	[tilespmem:$0x1C800] =	vst v63  }
0xf7: {  	_ = 	snop  }
0xf8: {  	[spmem:s4] =	stream.indirect.scatter.add.f32 [tilespmem:s20], [sflag:$0x3], $0x80, s2, s16, $0xb8;
	[tilespmem:$0x1C800] =	vst v63  }
0xf9: {  	_ =	swait.ge [sflag:s13], $0x4000  }
0xfa: {  	[sflag:s13] =	ssyncset.done $0x0  }
0xfb: {  	[sflag:s13] =	ssyncadd.s32 $0xFFFFC000  }
0xfc: {  	_ =	swait.ge [sflag:s18], $0x4000  }
0xfd: {  	[sflag:s18] =	ssyncset.done $0x0  }
0xfe: {  	[sflag:s18] =	ssyncadd.s32 $0xFFFFC000  }
0xff: {  	[tilespmem:s20], [sflag:$0x2] =	stream.indirect.gather [hbm4b:s1+s16], $0x80, s0, s16, $0xb8;
	[tilespmem:$0x1C800] =	vst v63  }
0x100: {  	_ = 	snop  }
0x101: {  	[spmem:s4] =	stream.indirect.scatter.add.f32 [tilespmem:s17], [sflag:$0x3], $0x80, s3, s16, $0xb8;
	[tilespmem:$0x1C800] =	vst v63  }
0x102: {  	_ =	swait.ge [sflag:s13], $0x4000  }
0x103: {  	[sflag:s13] =	ssyncset.done $0x0  }
0x104: {  	[sflag:s13] =	ssyncadd.s32 $0xFFFFC000  }
0x105: {  	_ =	swait.ge [sflag:s21], $0x4000  }
0x106: {  	[sflag:s21] =	ssyncset.done $0x0  }
0x107: {  	[sflag:s21] =	ssyncadd.s32 $0xFFFFC000  }
0x108: {  	[spmem:s4] =	stream.indirect.scatter.add.f32 [tilespmem:s20], [sflag:$0x3], $0x80, s8, s16, $0xb8;
	[tilespmem:$0x1C800] =	vst v63  }
0x109: {  	_ =	swait.ge [sflag:s13], $0x4000  }
0x10a: {  	[sflag:s13] =	ssyncset.done $0x0  }
0x10b: {  	[sflag:s13] =	ssyncadd.s32 $0xFFFFC000  }
0x10c: {  	[bflag:$0x0] =	sbarrier.arrive $0xFFFF  }
0x10d: {  	s7 =	rddreg [dreg:$0x7]  }
0x10e: {  	s12 =	rddreg [dreg:$0x8]  }
0x10f: {  	s10 =	rddreg [dreg:$0xb]  }
0x110: {  	[hbm:s12], [sflag:s7] =	dma.local [spmem:s10], $0x2800  }
0x111: {  	_ =	swait.ge [sflag:s13], $0x2800  }
0x112: {  	[sflag:s13] =	ssyncset.done $0x0  }
0x113: {  	s12 =	rddreg [dreg:$0x6];
	[sflag:s13] =	ssyncadd.s32 $0xFFFFD800  }
0x114: {  	[spmem:s10], [sflag:s7] =	dma.local [hbm:s12], $0x2800  }
0x115: {  	_ =	swait.ge [sflag:s13], $0x2800  }
0x116: {  	[sflag:s13] =	ssyncset.done $0x0  }
0x117: {  	[sflag:s13] =	ssyncadd.s32 $0xFFFFD800  }
0x118: {  	[bflag:$0x0] =	sbarrier.arrive $0xFFFF  }
0x119: {  	s7 =	simm.s32 $0x0;
	s10 =	rddreg [dreg:$0x2]  }
0x11a: {  	[tilespmem:s17], [sflag:$0x3] =	stream.linear.gather [hbm4b:s10+s7], $0x4000, $0x38;
	[tilespmem:$0x1C800] =	vst v63  }
0x11b: {  	_ =	swait.ge [sflag:s13], $0x4000  }
0x11c: {  	[sflag:s13] =	ssyncset.done $0x0  }
0x11d: {  	s12 =	sadd.s32 $0x0, s11;
	[sflag:s13] =	ssyncadd.s32 $0xFFFFC000  }
0x11e: {  	[tilespmem:s15], [sflag:$0x3] =	stream.linear.gather [hbm4b:s12+s5], $0x400, $0x38;
	[tilespmem:$0x1C800] =	vst v63  }
0x11f: {  	_ =	swait.ge [sflag:s13], $0x400  }
0x120: {  	[sflag:s13] =	ssyncset.done $0x0  }
0x121: {  	[sflag:s13] =	ssyncadd.s32 $0xFFFFFC00  }
0x122: {  	[spmem:s4] =	stream.indirect.scatter.add.f32 [tilespmem:s17], [sflag:$0x3], $0x80, s15, s16, $0xb8;
	[tilespmem:$0x1C800] =	vst v63  }
0x123: {  	_ =	swait.ge [sflag:s13], $0x4000  }
0x124: {  	[sflag:s13] =	ssyncset.done $0x0  }
0x125: {  	[sflag:s13] =	ssyncadd.s32 $0xFFFFC000  }
0x126: {  	[spmem:s4] =	stream.indirect.scatter.add.f32 [tilespmem:s17], [sflag:$0x3], $0x80, s23, s16, $0xb8;
	[tilespmem:$0x1C800] =	vst v63  }
0x127: {  	_ =	swait.ge [sflag:s13], $0x4000  }
0x128: {  	[sflag:s13] =	ssyncset.done $0x0  }
0x129: {  	[sflag:s13] =	ssyncadd.s32 $0xFFFFC000  }
0x12a: {  	[spmem:s4] =	stream.indirect.scatter.add.f32 [tilespmem:s17], [sflag:$0x3], $0x80, s25, s16, $0xb8;
	[tilespmem:$0x1C800] =	vst v63  }
0x12b: {  	_ =	swait.ge [sflag:s13], $0x4000  }
0x12c: {  	[sflag:s13] =	ssyncset.done $0x0  }
0x12d: {  	[sflag:s13] =	ssyncadd.s32 $0xFFFFC000  }
0x12e: {  	[spmem:s4] =	stream.indirect.scatter.add.f32 [tilespmem:s17], [sflag:$0x3], $0x80, s28, s16, $0xb8;
	[tilespmem:$0x1C800] =	vst v63  }
0x12f: {  	_ =	swait.ge [sflag:s13], $0x4000  }
0x130: {  	[sflag:s13] =	ssyncset.done $0x0  }
0x131: {  	[sflag:s13] =	ssyncadd.s32 $0xFFFFC000  }
0x132: {  	[spmem:s4] =	stream.indirect.scatter.add.f32 [tilespmem:s17], [sflag:$0x3], $0x80, s30, s16, $0xb8;
	[tilespmem:$0x1C800] =	vst v63  }
0x133: {  	_ =	swait.ge [sflag:s13], $0x4000  }
0x134: {  	[sflag:s13] =	ssyncset.done $0x0  }
0x135: {  	[sflag:s13] =	ssyncadd.s32 $0xFFFFC000  }
0x136: {  	[spmem:s4] =	stream.indirect.scatter.add.f32 [tilespmem:s17], [sflag:$0x3], $0x80, s2, s16, $0xb8;
	[tilespmem:$0x1C800] =	vst v63  }
0x137: {  	_ =	swait.ge [sflag:s13], $0x4000  }
0x138: {  	[sflag:s13] =	ssyncset.done $0x0  }
0x139: {  	[sflag:s13] =	ssyncadd.s32 $0xFFFFC000  }
0x13a: {  	[spmem:s4] =	stream.indirect.scatter.add.f32 [tilespmem:s17], [sflag:$0x3], $0x80, s3, s16, $0xb8;
	[tilespmem:$0x1C800] =	vst v63  }
0x13b: {  	_ =	swait.ge [sflag:s13], $0x4000  }
0x13c: {  	[sflag:s13] =	ssyncset.done $0x0  }
0x13d: {  	[sflag:s13] =	ssyncadd.s32 $0xFFFFC000  }
0x13e: {  	[spmem:s4] =	stream.indirect.scatter.add.f32 [tilespmem:s17], [sflag:$0x3], $0x80, s8, s16, $0xb8;
	[tilespmem:$0x1C800] =	vst v63  }
0x13f: {  	_ =	swait.ge [sflag:s13], $0x4000  }
0x140: {  	s6 =	simm.s32 $0x80;
	s7 =	simm.s32 $0x100;
	[sflag:s13] =	ssyncset.done $0x0  }
.LBB2_4:
0x141: {  	s12 =	sadd.s32 s6, s11  }
0x142: {  	[sflag:s13] =	ssyncadd.s32 $0xFFFFC000;
	s6 =	smov.u32 s7;
	s10 =	sadd.s32 $0x80, s7  }
0x143: {  	[tilespmem:s15], [sflag:$0x3] =	stream.linear.gather [hbm4b:s12+s5], $0x400, $0x38;
	[tilespmem:$0x1C800] =	vst v63  }
0x144: {  	p0 =	sne.s32 s7, $0x480;
	_ =	swait.ge [sflag:s13], $0x400  }
0x145: {  	[sflag:s13] =	ssyncset.done $0x0  }
0x146: {  	[sflag:s13] =	ssyncadd.s32 $0xFFFFFC00  }
0x147: {  	[spmem:s4] =	stream.indirect.scatter.add.f32 [tilespmem:s17], [sflag:$0x3], $0x80, s15, s16, $0xb8;
	[tilespmem:$0x1C800] =	vst v63  }
0x148: {  	_ =	swait.ge [sflag:s13], $0x4000  }
0x149: {  	[sflag:s13] =	ssyncset.done $0x0  }
0x14a: {  	[sflag:s13] =	ssyncadd.s32 $0xFFFFC000  }
0x14b: {  	[spmem:s4] =	stream.indirect.scatter.add.f32 [tilespmem:s17], [sflag:$0x3], $0x80, s23, s16, $0xb8;
	[tilespmem:$0x1C800] =	vst v63  }
0x14c: {  	_ =	swait.ge [sflag:s13], $0x4000  }
0x14d: {  	[sflag:s13] =	ssyncset.done $0x0  }
0x14e: {  	[sflag:s13] =	ssyncadd.s32 $0xFFFFC000  }
0x14f: {  	[spmem:s4] =	stream.indirect.scatter.add.f32 [tilespmem:s17], [sflag:$0x3], $0x80, s25, s16, $0xb8;
	[tilespmem:$0x1C800] =	vst v63  }
0x150: {  	_ =	swait.ge [sflag:s13], $0x4000  }
0x151: {  	[sflag:s13] =	ssyncset.done $0x0  }
0x152: {  	[sflag:s13] =	ssyncadd.s32 $0xFFFFC000  }
0x153: {  	[spmem:s4] =	stream.indirect.scatter.add.f32 [tilespmem:s17], [sflag:$0x3], $0x80, s28, s16, $0xb8;
	[tilespmem:$0x1C800] =	vst v63  }
0x154: {  	_ =	swait.ge [sflag:s13], $0x4000  }
0x155: {  	[sflag:s13] =	ssyncset.done $0x0  }
0x156: {  	[sflag:s13] =	ssyncadd.s32 $0xFFFFC000  }
0x157: {  	[spmem:s4] =	stream.indirect.scatter.add.f32 [tilespmem:s17], [sflag:$0x3], $0x80, s30, s16, $0xb8;
	[tilespmem:$0x1C800] =	vst v63  }
0x158: {  	_ =	swait.ge [sflag:s13], $0x4000  }
0x159: {  	[sflag:s13] =	ssyncset.done $0x0  }
0x15a: {  	[sflag:s13] =	ssyncadd.s32 $0xFFFFC000  }
0x15b: {  	[spmem:s4] =	stream.indirect.scatter.add.f32 [tilespmem:s17], [sflag:$0x3], $0x80, s2, s16, $0xb8;
	[tilespmem:$0x1C800] =	vst v63  }
0x15c: {  	_ =	swait.ge [sflag:s13], $0x4000  }
0x15d: {  	[sflag:s13] =	ssyncset.done $0x0  }
0x15e: {  	[sflag:s13] =	ssyncadd.s32 $0xFFFFC000  }
0x15f: {  	[spmem:s4] =	stream.indirect.scatter.add.f32 [tilespmem:s17], [sflag:$0x3], $0x80, s3, s16, $0xb8;
	[tilespmem:$0x1C800] =	vst v63  }
0x160: {  	_ =	swait.ge [sflag:s13], $0x4000  }
.Ltmp1:
0x161: {  	[sflag:s13] =	ssyncset.done $0x0;
	(pc) =	sbr.rel @p0 .LBB2_4-.Ltmp1, $4  }
0x162: {  	[sflag:s13] =	ssyncadd.s32 $0xFFFFC000  }
0x163: {  	[spmem:s4] =	stream.indirect.scatter.add.f32 [tilespmem:s17], [sflag:$0x3], $0x80, s8, s16, $0xb8;
	[tilespmem:$0x1C800] =	vst v63  }
0x164: {  	_ =	swait.ge [sflag:s13], $0x4000  }
0x165: {  	s7 =	smov.u32 s10;
	[sflag:s13] =	ssyncset.done $0x0  }
0x166: {  	s6 =	sadd.s32 s6, s11;
	[sflag:s13] =	ssyncadd.s32 $0xFFFFC000  }
0x167: {  	[tilespmem:s15], [sflag:$0x3] =	stream.linear.gather [hbm4b:s6+s5], $0x400, $0x38;
	[tilespmem:$0x1C800] =	vst v63  }
0x168: {  	_ =	swait.ge [sflag:s13], $0x400  }
0x169: {  	[sflag:s13] =	ssyncset.done $0x0  }
0x16a: {  	[sflag:s13] =	ssyncadd.s32 $0xFFFFFC00  }
0x16b: {  	[spmem:s4] =	stream.indirect.scatter.add.f32 [tilespmem:s17], [sflag:$0x3], $0x80, s15, s16, $0xb8;
	[tilespmem:$0x1C800] =	vst v63  }
0x16c: {  	_ =	swait.ge [sflag:s13], $0x4000  }
0x16d: {  	[sflag:s13] =	ssyncset.done $0x0  }
0x16e: {  	[sflag:s13] =	ssyncadd.s32 $0xFFFFC000  }
0x16f: {  	[spmem:s4] =	stream.indirect.scatter.add.f32 [tilespmem:s17], [sflag:$0x3], $0x80, s23, s16, $0xb8;
	[tilespmem:$0x1C800] =	vst v63  }
0x170: {  	_ =	swait.ge [sflag:s13], $0x4000  }
0x171: {  	[sflag:s13] =	ssyncset.done $0x0  }
0x172: {  	[sflag:s13] =	ssyncadd.s32 $0xFFFFC000  }
0x173: {  	[spmem:s4] =	stream.indirect.scatter.add.f32 [tilespmem:s17], [sflag:$0x3], $0x80, s25, s16, $0xb8;
	[tilespmem:$0x1C800] =	vst v63  }
0x174: {  	_ =	swait.ge [sflag:s13], $0x4000  }
0x175: {  	[sflag:s13] =	ssyncset.done $0x0  }
0x176: {  	[sflag:s13] =	ssyncadd.s32 $0xFFFFC000  }
0x177: {  	[spmem:s4] =	stream.indirect.scatter.add.f32 [tilespmem:s17], [sflag:$0x3], $0x80, s28, s16, $0xb8;
	[tilespmem:$0x1C800] =	vst v63  }
0x178: {  	_ =	swait.ge [sflag:s13], $0x4000  }
0x179: {  	[sflag:s13] =	ssyncset.done $0x0  }
0x17a: {  	[sflag:s13] =	ssyncadd.s32 $0xFFFFC000  }
0x17b: {  	[spmem:s4] =	stream.indirect.scatter.add.f32 [tilespmem:s17], [sflag:$0x3], $0x80, s30, s16, $0xb8;
	[tilespmem:$0x1C800] =	vst v63  }
0x17c: {  	_ =	swait.ge [sflag:s13], $0x4000  }
0x17d: {  	[sflag:s13] =	ssyncset.done $0x0  }
0x17e: {  	[sflag:s13] =	ssyncadd.s32 $0xFFFFC000  }
0x17f: {  	[spmem:s4] =	stream.indirect.scatter.add.f32 [tilespmem:s17], [sflag:$0x3], $0x80, s2, s16, $0xb8;
	[tilespmem:$0x1C800] =	vst v63  }
0x180: {  	_ =	swait.ge [sflag:s13], $0x4000  }
0x181: {  	[sflag:s13] =	ssyncset.done $0x0  }
0x182: {  	[sflag:s13] =	ssyncadd.s32 $0xFFFFC000  }
0x183: {  	[spmem:s4] =	stream.indirect.scatter.add.f32 [tilespmem:s17], [sflag:$0x3], $0x80, s3, s16, $0xb8;
	[tilespmem:$0x1C800] =	vst v63  }
0x184: {  	_ =	swait.ge [sflag:s13], $0x4000  }
0x185: {  	[sflag:s13] =	ssyncset.done $0x0  }
0x186: {  	[sflag:s13] =	ssyncadd.s32 $0xFFFFC000  }
0x187: {  	[spmem:s4] =	stream.indirect.scatter.add.f32 [tilespmem:s17], [sflag:$0x3], $0x80, s8, s16, $0xb8;
	[tilespmem:$0x1C800] =	vst v63  }
0x188: {  	_ =	swait.ge [sflag:s13], $0x4000  }
0x189: {  	[sflag:s13] =	ssyncset.done $0x0  }
0x18a: {  	[sflag:s13] =	ssyncadd.s32 $0xFFFFC000  }
0x18b: {  	[bflag:$0x0] =	sbarrier.arrive $0xFFFF  }
0x18c: {  	s7 =	rddreg [dreg:$0x7]  }
0x18d: {  	s12 =	rddreg [dreg:$0x9]  }
0x18e: {  	s10 =	rddreg [dreg:$0xb]  }
0x18f: {  	[hbm:s12], [sflag:s7] =	dma.local [spmem:s10], $0x2800  }
0x190: {  	_ =	swait.ge [sflag:s13], $0x2800  }
0x191: {  	s9 =	sadd.s32 $0x1, s9;
	s12 =	rddreg [dreg:$0xa]  }
0x192: {  	p0 =	sne.s32 s9, s12  }
.Ltmp2:
0x193: {  	_ = 	snop;
	(pc) =	sbr.rel @p0 .LBB2_1-.Ltmp2, $3  }
0x194: {  	_ =	sdelay $0x1  }
0x195: {  	[sflag:s13] =	ssyncset.done $0x0  }
0x196: {  	[sflag:s13] =	ssyncadd.s32 $0xFFFFD800  }
0x197: {  	_ =	sfence.sel $0x180000  }
0x198: {  	[bflag:$0x0] =	sbarrier.arrive $0xFFFF  }
0x199: {  	_ =	strace $0x90000047  }
0x19a: {  	s0 =	stileid.u32;
	[bflag:$0x2] =	sbarrier.arrive $0xFFFF  }
0x19b: {  	p0 =	sne.s32 s0, $0x0;
	s0 =	rddreg [dreg:$0x4]  }
0x19c: {  	s0 =	sadd.s32 @!p0 $0x100000, s0  }
0x19d: {  	[sflag:s0] =	ssyncadd.tile.s32 @!p0 $0x1;
	_ =	shalt  }
.Lfunc_end2:
_tile_overlayer_lowered:
.L_overlay_start_2:
0x19e: {  	(tag) =	ssettag $0x2  }
0x19f: {  	s0 =	rddreg [dreg:$0x0];
	s2 =	stileid.u32  }
0x1a0: {  	s1 =	rddreg [dreg:$0x1];
	p0 =	sne.s32 s2, $0x0  }
0x1a1: {  	s3 =	rddreg [dreg:$0x2];
	[bflag:$0x3] =	sbarrier.arrive $0xFFFF;
	s2 =	simm.s32 @!p0 $0x1C03  }
0x1a2: {  	[timem:s3], [sflag:s2] =	dma.local @!p0 [hbm:s0], s1  }
0x1a3: {  	s0 =	simm.s32 @!p0 $0x3  }
0x1a4: {  	_ =	swait.ge @!p0 [sflag:s0], s1  }
0x1a5: {  	s1 =	ssub.s32 @!p0 $0x0, s1;
	[sflag:s0] =	ssyncset.done @!p0 $0x0  }
0x1a6: {  	[sflag:s0] =	ssyncadd.s32 @!p0 s1  }
0x1a7: {  	[bflag:$0x3] =	sbarrier.arrive $0xFFFF  }
0x1a8: {  	_ =	shalt  }

// kernel: kernel.9.cloned.1.call-start
scs
__scs_entry_jumppad:
0x0: {  	(pc) =	sbr.rel $0x88, $3  }
0x1: {  	(tag) =	ssettag $0x0;
	lr =	simm.s32 $0x1  }
0x2: {  	[smem:$0x3F96] =	sst lr;
	_ =	strace $0xD0000000  }
0x3: {  	_ = 	snop  }
0x4: {  	_ = 	snop  }
0x5: {  	_ = 	snop  }
0x6: {  	_ = 	snop  }
0x7: {  	_ = 	snop  }
__scs_overlays_trampoline_lowered:
0x8: {  	[smem:$0x3FA5] =	sst s0  }
0x9: {  	[smem:$0x3FA6] =	sst s1  }
0xa: {  	[smem:$0x3FA7] =	sst s2  }
0xb: {  	[smem:$0x3FA8] =	sst s3  }
0xc: {  	[smem:$0x3FA9] =	sst s4  }
0xd: {  	[smem:$0x3FAA] =	sst s5  }
0xe: {  	[smem:$0x3FAB] =	sst s6  }
0xf: {  	[smem:$0x3FAC] =	sst s7  }
0x10: {  	[smem:$0x3FAD] =	sst s8  }
0x11: {  	[smem:$0x3FAE] =	sst s9;
	s0 =	simm.s32 @!p0 $0x0  }
0x12: {  	s1 =	sld [smem:$0x3F94];
	s0 =	simm.s32 @p0 $0x1  }
0x13: {  	[smem:$0x3FAF] =	sst s0;
	s0 =	simm.s32 @!p1 $0x0  }
0x14: {  	s2 =	sld [smem:$0x3F93];
	s0 =	simm.s32 @p1 $0x1  }
0x15: {  	[smem:$0x3FB0] =	sst s0;
	s0 =	simm.s32 @!p2 $0x0  }
0x16: {  	s3 =	sld [smem:$0x3FDB];
	s0 =	simm.s32 @p2 $0x1  }
0x17: {  	s4 =	simm.s32 $0x1BF5;
	[smem:$0x3FB2] =	sst s0  }
0x18: {  	s0 =	sld [smem:$0x3F95];
	_ =	swait.ge [sflag:s4], $0x0  }
0x19: {  	s7 =	sld [smem:$0x3F96]  }
0x1a: {  	s8 =	sadd.s32 $0xFFFFE003, lr  }
0x1b: {  	s9 =	sadd.s32 $0xFFFFFEF7, lr;
	s5 =	simm.s32 $0xFFFFFFFF;
	p2 =	slt.u32 s8, $0xFFFFF086  }
0x1c: {  	p1 =	slt.u32 s9, $0xF7A;
	s5 =	simm.s32 @!p2 $0x0  }
0x1d: {  	s5 =	simm.s32 @p1 $0x1;
	p0 =	seq.s32 s7, s2  }
0x1e: {  	s7 =	smul.u32 @!p0 $0xF7A, s2;
	p2 =	seq.s32 @!p0 s5, $0x0  }
0x1f: {  	s9 =	smul.u32 $0xF7A, s1;
	s8 =	simm.s32 @!p0 $0x1BF5;
	p2 =	por !p2, p0  }
0x20: {  	[sflag:s8] =	ssyncset.s32 @!p0 $0xFFFFF086;
	s6 =	sadd.s32 @!p0 s3, s7;
	s7 =	simm.s32 @!p0 $0x108  }
0x21: {  	s3 =	sadd.s32 s3, s9;
	s6 =	sadd.s32 @!p0 $0x88, s6;
	s7 =	simm.s32 @p2 $0x1082  }
0x22: {  	[simem:s7], [sflag:s8] =	dma.local @!p0 [hbm:s6], $0xF7A  }
0x23: {  	s9 =	sor.u32 $0xD0000000, s2;
	s6 =	simm.s32 $0x108;
	_ =	swait.ge @!p0 [sflag:s8], $0x0  }
0x24: {  	s3 =	sadd.s32 $0x88, s3;
	s6 =	simm.s32 @!p1 $0x1082;
	[sflag:s4] =	ssyncset.s32 $0xFFFFF086  }
0x25: {  	[simem:s6], [sflag:s4] =	dma.local [hbm:s3], $0xF7A  }
0x26: {  	[smem:$0x3F96] =	sst s1;
	(tag) =	ssettag s2;
	_ =	strace s9  }
0x27: {  	s1 =	sld [smem:$0x3FA6]  }
0x28: {  	s2 =	sld [smem:$0x3FA7]  }
0x29: {  	s4 =	sld [smem:$0x3FA9]  }
0x2a: {  	p0 =	seq.s32 s5, $0x0;
	s5 =	sld [smem:$0x3FAA]  }
0x2b: {  	s6 =	sld [smem:$0x3FAB]  }
0x2c: {  	s7 =	sld [smem:$0x3FAC]  }
0x2d: {  	s3 =	simm.s32 $0x108;
	s8 =	sld [smem:$0x3FAD]  }
0x2e: {  	s3 =	simm.s32 @!p0 $0x1082;
	s9 =	sld [smem:$0x3FAE]  }
0x2f: {  	lr =	sadd.s32 s0, s3;
	s0 =	sld [smem:$0x3FA5]  }
0x30: {  	s3 =	sld [smem:$0x3FA8]  }
0x31: {  	[smem:$0x3FB1] =	sst s10  }
0x32: {  	s10 =	sld [smem:$0x3FAF];
	_ =	sdelay $0x3  }
0x33: {  	p0 =	seq.s32 s10, $0x1;
	s10 =	sld [smem:$0x3FB1];
	_ =	sdelay $0x3  }
0x34: {  	[smem:$0x3FB1] =	sst s10  }
0x35: {  	s10 =	sld [smem:$0x3FB0];
	_ =	sdelay $0x3  }
0x36: {  	p1 =	seq.s32 s10, $0x1;
	s10 =	sld [smem:$0x3FB1];
	_ =	sdelay $0x3  }
0x37: {  	[smem:$0x3FB1] =	sst s10  }
0x38: {  	s10 =	sld [smem:$0x3FB2]  }
0x39: {  	_ = 	snop;
	(pc) =	sbr.ind lr, $3  }
0x3a: {  	_ = 	snop  }
0x3b: {  	_ = 	snop  }
0x3c: {  	p2 =	seq.s32 s10, $0x1;
	s10 =	sld [smem:$0x3FB1]  }
0x3d: {  	_ =	shalt  }
0x3e: {  	_ =	shalt  }
0x3f: {  	_ =	shalt  }
0x40: {  	_ =	shalt  }
0x41: {  	_ =	shalt  }
0x42: {  	_ =	shalt  }
0x43: {  	_ =	shalt  }
0x44: {  	_ =	shalt  }
0x45: {  	_ =	shalt  }
0x46: {  	_ =	shalt  }
0x47: {  	_ =	shalt  }
0x48: {  	_ =	shalt  }
0x49: {  	_ =	shalt  }
0x4a: {  	_ =	shalt  }
0x4b: {  	_ =	shalt  }
0x4c: {  	_ =	shalt  }
0x4d: {  	_ =	shalt  }
0x4e: {  	_ =	shalt  }
0x4f: {  	_ =	shalt  }
0x50: {  	_ =	shalt  }
0x51: {  	_ =	shalt  }
0x52: {  	_ =	shalt  }
0x53: {  	_ =	shalt  }
0x54: {  	_ =	shalt  }
0x55: {  	_ =	shalt  }
0x56: {  	_ =	shalt  }
0x57: {  	_ =	shalt  }
0x58: {  	_ =	shalt  }
0x59: {  	_ =	shalt  }
0x5a: {  	_ =	shalt  }
0x5b: {  	_ =	shalt  }
0x5c: {  	_ =	shalt  }
0x5d: {  	_ =	shalt  }
0x5e: {  	_ =	shalt  }
0x5f: {  	_ =	shalt  }
0x60: {  	_ =	shalt  }
0x61: {  	_ =	shalt  }
0x62: {  	_ =	shalt  }
0x63: {  	_ =	shalt  }
0x64: {  	_ =	shalt  }
0x65: {  	_ =	shalt  }
0x66: {  	_ =	shalt  }
0x67: {  	_ =	shalt  }
0x68: {  	_ =	shalt  }
0x69: {  	_ =	shalt  }
0x6a: {  	_ =	shalt  }
0x6b: {  	_ =	shalt  }
0x6c: {  	_ =	shalt  }
0x6d: {  	_ =	shalt  }
0x6e: {  	_ =	shalt  }
0x6f: {  	_ =	shalt  }
0x70: {  	_ =	shalt  }
0x71: {  	_ =	shalt  }
0x72: {  	_ =	shalt  }
0x73: {  	_ =	shalt  }
0x74: {  	_ =	shalt  }
0x75: {  	_ =	shalt  }
0x76: {  	_ =	shalt  }
0x77: {  	_ =	shalt  }
0x78: {  	_ =	shalt  }
0x79: {  	_ =	shalt  }
0x7a: {  	_ =	shalt  }
0x7b: {  	_ =	shalt  }
0x7c: {  	_ =	shalt  }
0x7d: {  	_ =	shalt  }
0x7e: {  	_ =	shalt  }
0x7f: {  	_ =	shalt  }
0x80: {  	_ =	shalt  }
0x81: {  	_ =	shalt  }
0x82: {  	_ =	shalt  }
0x83: {  	_ =	shalt  }
0x84: {  	_ =	shalt  }
0x85: {  	_ =	shalt  }
0x86: {  	_ =	shalt  }
0x87: {  	_ =	shalt  }
.Lfunc_end0:
.L_simem_size_0:
called_computation.1_lowered:
.L_overlay_start_0:
0x88: {  	s2 =	sld [smem:$0x3FD9]  }
0x89: {  	s3 =	sld [smem:$0x3FFE];
	_ =	sdelay $0x1  }
0x8a: {  	s1 =	srdreg.scid  }
0x8b: {  	s0 =	sand.u32 $0x1, s1  }
0x8c: {  	s17 =	sshll.u32 s0, $0xA;
	s2 =	sadd.s32 s3, s2  }
0x8d: {  	s2 =	sadd.s32 s2, s17  }
0x8e: {  	[smem:$0x3FBD] =	sst s2  }
0x8f: {  	_ = 	snop  }
0x90: {  	s2 =	sld [smem:$0x3FD0];
	(tm) =	ssettm $0x1  }
0x91: {  	s18 =	sld [smem:$0x3FFB];
	_ =	sdelay $0x3  }
0x92: {  	_ =	strace s18  }
0x93: {  	s3 =	sld [smem:$0x3FFC];
	_ =	sdelay $0x3  }
0x94: {  	_ =	strace s3  }
0x95: {  	s3 =	sld [smem:$0x3FFD];
	_ =	sdelay $0x3  }
0x96: {  	_ =	strace s3  }
0x97: {  	_ =	strace $0x8FFFFFFF  }
0x98: {  	s19 =	sld [smem:$0x3FDB];
	_ =	sdelay $0x1  }
0x99: {  	s4 =	simm.s32 $_scs_section_size  }
0x9a: {  	s5 =	simm.s32 $_size__tile_overlayer_lowered;
	s6 =	simm.s32 $_tile_overlayer_lowered  }
0x9b: {  	s22 =	simm.s32 $0x1BFF;
	s21 =	sshll.u32 s6, $0x1;
	s3 =	sadd.s32 s4, s19  }
0x9c: {  	s7 =	simm.s32 $0x0;
	s20 =	sshll.u32 s5, $0x1;
	s5 =	sadd.s32 s21, s3  }
0x9d: {  	[timem:s7], [sflag:s22] =	dma.local [hbm:s5], s20  }
0x9e: {  	_ =	swait.ge [sflag:s22], s20  }
0x9f: {  	s4 =	ssub.s32 $0x0, s20;
	[sflag:s22] =	ssyncset.done $0x0  }
0xa0: {  	[sflag:s22] =	ssyncadd.s32 s4;
	_ =	sdelay $0x1  }
0xa1: {  	s23 =	simm.s32 $0x1B8B  }
0xa2: {  	_ =	swait.ge [sflag:s23], $0x1  }
0xa3: {  	[sflag:s23] =	ssyncset.done $0x0  }
0xa4: {  	s25 =	simm.s32 $0x1B8E;
	s24 =	sld [smem:$0x3FFE];
	[sflag:s23] =	ssyncadd.s32 $0xFFFFFFFF  }
0xa5: {  	s26 =	simm.s32 $execute0_lowered;
	[smem:$0x3FD2] =	sst s25  }
0xa6: {  	s5 =	sshll.u32 s26, $0x1;
	_ =	strace $0x80000049;
	[dreg:$0x1] =	wrdreg $0xFFFFFFFF  }
0xa7: {  	s28 =	simm.s32 $_size_execute0_lowered;
	s3 =	sadd.s32 s3, s5;
	[dreg:$0x0] =	wrdreg $0x0  }
0xa8: {  	s5 =	sshll.u32 s28, $0x1;
	[dreg:$0x2] =	wrdreg s3  }
0xa9: {  	[dreg:$0x3] =	wrdreg s5  }
0xaa: {  	[dreg:$0x4] =	wrdreg $0xC0  }
0xab: {  	_ =	task [dreg:s7], $0x5FFFF  }
0xac: {  	[dreg:$0x1] =	wrdreg $0xFFFFFFFF  }
0xad: {  	[dreg:$0x0] =	wrdreg $0x60  }
0xae: {  	[dreg:$0x2] =	wrdreg s2  }
0xaf: {  	[dreg:$0x3] =	wrdreg s24  }
0xb0: {  	[dreg:$0x4] =	wrdreg $0x0  }
0xb1: {  	[dreg:$0x5] =	wrdreg $0x9  }
0xb2: {  	_ =	task.clear_ibuf [dreg:s7], $0x6FFFF;
	_ =	strace $0x90000049  }
0xb3: {  	s29 =	simm.s32 $0x9;
	_ =	strace $0x8000004B  }
0xb4: {  	_ =	swait.ge [sflag:s29], $0x1  }
0xb5: {  	[sflag:s29] =	ssyncadd.s32 $0xFFFFFFFF  }
0xb6: {  	_ =	strace $0x9000004B  }
0xb7: {  	_ =	sfence  }
0xb8: {  	s30 =	sld [smem:$0x0];
	_ =	sdelay $0x2  }
0xb9: {  	s31 =	sshll.u32 s1, $0xD;
	s1 =	sshrl.u32 s1, $0x2  }
0xba: {  	s3 =	sand.u32 $0x4000, s31;
	s1 =	sadd.s32 s1, s30  }
0xbb: {  	s0 =	sor.u32 s3, s0;
	s1 =	sshll.u32 s1, $0x11  }
0xbc: {  	s0 =	sor.u32 s1, s0  }
0xbd: {  	s0 =	sadd.s32 $0x8F2B, s0  }
0xbe: {  	[sflag:s0] =	ssyncadd.remote.s32 $0x1  }
0xbf: {  	_ =	sfence.sel $0xFFFF  }
0xc0: {  	[dreg:$0x0] =	wrdreg $0xFFFFFFFF;
	(pc) =	sbr.abs _section_cstart, $3  }
0xc1: {  	[dreg:$0x1] =	wrdreg $0xFFFFFFFF  }
0xc2: {  	_ =	task.clear_ibuf [dreg:s7], $0x2FFFF;
	_ =	strace $0x9FFFFFFF  }
0xc3: {  	(tm) =	ssettm $0x7FFFFFFF  }
tec
execute0_lowered:
.L_overlay_start_1:
0x0: {  	(tag) =	ssettag $0x1  }
0x1: {  	s1 =	rddreg [dreg:$0x0]  }
0x2: {  	s0 =	srdreg.scid;
	s2 =	rddreg [dreg:$0x1]  }
0x3: {  	s8 =	stileid.u32;
	s3 =	rddreg [dreg:$0x2]  }
0x4: {  	s4 =	simm.s32 $0x0;
	s11 =	simm.s32 $0x3;
	s12 =	simm.s32 $0x14000  }
0x5: {  	s13 =	simm.s32 $0x14400;
	s14 =	simm.s32 $0x80;
	s15 =	simm.s32 $0x14800  }
0x6: {  	s16 =	simm.s32 $0x1;
	s17 =	simm.s32 $0x14080;
	s18 =	simm.s32 $0x18800  }
0x7: {  	s19 =	simm.s32 $0x2;
	s20 =	simm.s32 $0x14100;
	s28 =	simm.s32 $0x14600  }
0x8: {  	s29 =	simm.s32 $0x14300;
	s30 =	simm.s32 $0x14680;
	s5 =	smul.u32 $0x5000, s8  }
0x9: {  	s31 =	simm.s32 $0x14380;
	s0 =	sand.u32 $0x1, s0;
	s21 =	smul.u32 $0x14000, s8  }
0xa: {  	[smem:$0x7FF] =	sst s4;
	s22 =	smul.u32 $0x50000, s8;
	s9 =	sadd.s32 $0x16800, s2  }
0xb: {  	s25 =	sshll.u32 s8, $0x6;
	s8 =	simm.s32 $0x0;
	s6 =	smul.u32 $0x2800, s0  }
0xc: {  	s7 =	smul.u32 $0x140000, s0;
	_ =	strace $0x8000004A;
	s0 =	ssub.s32 $0x2, s0  }
0xd: {  	[dreg:$0x5] =	wrdreg s9;
	s23 =	sshrl.u32 s0, $0x1;
	s5 =	sadd.s32 s6, s5  }
0xe: {  	s6 =	sadd.s32 s21, s7;
	s7 =	sshrl.u32 s22, $0x2;
	s0 =	ssub.s32 s0, s23  }
0xf: {  	s21 =	simm.s32 $0x14480;
	s22 =	simm.s32 $0x14180;
	s23 =	simm.s32 $0x14500  }
0x10: {  	s5 =	sshrl.u32 s5, $0x3;
	s6 =	sshrl.u32 s6, $0x3;
	s24 =	sadd.s32 s7, s3  }
0x11: {  	s7 =	sor.u32 $0x1C03, s25;
	s0 =	smax.u32 s0, $0x1;
	s25 =	simm.s32 $0x14580  }
0x12: {  	s5 =	sadd.s32 s5, s2;
	s2 =	sadd.s32 s6, s2;
	[dreg:$0x8] =	wrdreg s0  }
0x13: {  	s6 =	sshrl.u32 s24, $0x3;
	s24 =	simm.s32 $0x14200;
	[dreg:$0x6] =	wrdreg s7  }
0x14: {  	s0 =	simm.s32 $0x14780;
	s2 =	sadd.s32 $0x19000, s2;
	[dreg:$0x9] =	wrdreg s6  }
0x15: {  	s26 =	sadd.s32 $0x2800, s5;
	s9 =	sadd.s32 $0xC800, s5;
	[dreg:$0x7] =	wrdreg s2  }
0x16: {  	[dreg:$0x4] =	wrdreg s26;
	s26 =	simm.s32 $0x14280;
	s2 =	simm.s32 $0x14700  }
.LBB2_1:
0x17: {  	[dreg:$0xa] =	wrdreg s8  }
0x18: {  	s5 =	rddreg [dreg:$0x5]  }
0x19: {  	[spmem:s6], [sflag:s7] =	dma.local [hbm:s5], $0x2800  }
0x1a: {  	_ =	swait.ge [sflag:s11], $0x2800  }
0x1b: {  	[sflag:s11] =	ssyncset.done $0x0  }
0x1c: {  	[sflag:s11] =	ssyncadd.s32 $0xFFFFD800  }
0x1d: {  	s8 =	sadd.s32 $0x0, s9;
	[bflag:$0x0] =	sbarrier.arrive $0xFFFF  }
0x1e: {  	[tilespmem:s12], [sflag:$0x3] =	stream.linear.gather [hbm4b:s8+s4], $0x400, $0x38;
	[tilespmem:$0x1C800] =	vst v63  }
0x1f: {  	_ =	swait.ge [sflag:s11], $0x400  }
0x20: {  	s10 =	rddreg [dreg:$0x4];
	[sflag:s11] =	ssyncset.done $0x0  }
0x21: {  	[sflag:s11] =	ssyncadd.s32 $0xFFFFFC00;
	s6 =	sadd.s32 $0x0, s10  }
0x22: {  	[tilespmem:s13], [sflag:$0x3] =	stream.linear.gather [hbm4b:s6+s4], $0x400, $0x38;
	[tilespmem:$0x1C800] =	vst v63  }
0x23: {  	_ =	swait.ge [sflag:s11], $0x400  }
0x24: {  	[sflag:s11] =	ssyncset.done $0x0  }
0x25: {  	[sflag:s11] =	ssyncadd.s32 $0xFFFFFC00  }
0x26: {  	[tilespmem:s15], [sflag:$0x1] =	stream.indirect.gather [hbm4b:s1+s14], $0x80, s12, s14, $0xb8;
	[tilespmem:$0x1C800] =	vst v63  }
0x27: {  	_ =	swait.ge [sflag:s16], $0x4000  }
0x28: {  	[sflag:s16] =	ssyncset.done $0x0  }
0x29: {  	[sflag:s16] =	ssyncadd.s32 $0xFFFFC000  }
0x2a: {  	[tilespmem:s18], [sflag:$0x2] =	stream.indirect.gather [hbm4b:s1+s14], $0x80, s17, s14, $0xb8;
	[tilespmem:$0x1C800] =	vst v63  }
0x2b: {  	_ = 	snop  }
0x2c: {  	[spmem:s3] =	stream.indirect.scatter.add.f32 [tilespmem:s15], [sflag:$0x3], $0x80, s13, s14, $0xb8;
	[tilespmem:$0x1C800] =	vst v63  }
0x2d: {  	_ =	swait.ge [sflag:s11], $0x4000  }
0x2e: {  	[sflag:s11] =	ssyncset.done $0x0  }
0x2f: {  	[sflag:s11] =	ssyncadd.s32 $0xFFFFC000  }
0x30: {  	_ =	swait.ge [sflag:s19], $0x4000  }
0x31: {  	[sflag:s19] =	ssyncset.done $0x0  }
0x32: {  	[sflag:s19] =	ssyncadd.s32 $0xFFFFC000  }
0x33: {  	[tilespmem:s15], [sflag:$0x1] =	stream.indirect.gather [hbm4b:s1+s14], $0x80, s20, s14, $0xb8;
	[tilespmem:$0x1C800] =	vst v63  }
0x34: {  	_ = 	snop  }
0x35: {  	[spmem:s3] =	stream.indirect.scatter.add.f32 [tilespmem:s18], [sflag:$0x3], $0x80, s21, s14, $0xb8;
	[tilespmem:$0x1C800] =	vst v63  }
0x36: {  	_ =	swait.ge [sflag:s11], $0x4000  }
0x37: {  	[sflag:s11] =	ssyncset.done $0x0  }
0x38: {  	[sflag:s11] =	ssyncadd.s32 $0xFFFFC000  }
0x39: {  	_ =	swait.ge [sflag:s16], $0x4000  }
0x3a: {  	[sflag:s16] =	ssyncset.done $0x0  }
0x3b: {  	[sflag:s16] =	ssyncadd.s32 $0xFFFFC000  }
0x3c: {  	[tilespmem:s18], [sflag:$0x2] =	stream.indirect.gather [hbm4b:s1+s14], $0x80, s22, s14, $0xb8;
	[tilespmem:$0x1C800] =	vst v63  }
0x3d: {  	_ = 	snop  }
0x3e: {  	[spmem:s3] =	stream.indirect.scatter.add.f32 [tilespmem:s15], [sflag:$0x3], $0x80, s23, s14, $0xb8;
	[tilespmem:$0x1C800] =	vst v63  }
0x3f: {  	_ =	swait.ge [sflag:s11], $0x4000  }
0x40: {  	[sflag:s11] =	ssyncset.done $0x0  }
0x41: {  	[sflag:s11] =	ssyncadd.s32 $0xFFFFC000  }
0x42: {  	_ =	swait.ge [sflag:s19], $0x4000  }
0x43: {  	[sflag:s19] =	ssyncset.done $0x0  }
0x44: {  	[sflag:s19] =	ssyncadd.s32 $0xFFFFC000  }
0x45: {  	[tilespmem:s15], [sflag:$0x1] =	stream.indirect.gather [hbm4b:s1+s14], $0x80, s24, s14, $0xb8;
	[tilespmem:$0x1C800] =	vst v63  }
0x46: {  	_ = 	snop  }
0x47: {  	[spmem:s3] =	stream.indirect.scatter.add.f32 [tilespmem:s18], [sflag:$0x3], $0x80, s25, s14, $0xb8;
	[tilespmem:$0x1C800] =	vst v63  }
0x48: {  	_ =	swait.ge [sflag:s11], $0x4000  }
0x49: {  	[sflag:s11] =	ssyncset.done $0x0  }
0x4a: {  	[sflag:s11] =	ssyncadd.s32 $0xFFFFC000  }
0x4b: {  	_ =	swait.ge [sflag:s16], $0x4000  }
0x4c: {  	[sflag:s16] =	ssyncset.done $0x0  }
0x4d: {  	[sflag:s16] =	ssyncadd.s32 $0xFFFFC000  }
0x4e: {  	[tilespmem:s18], [sflag:$0x2] =	stream.indirect.gather [hbm4b:s1+s14], $0x80, s26, s14, $0xb8;
	[tilespmem:$0x1C800] =	vst v63  }
0x4f: {  	_ = 	snop  }
0x50: {  	[spmem:s3] =	stream.indirect.scatter.add.f32 [tilespmem:s15], [sflag:$0x3], $0x80, s28, s14, $0xb8;
	[tilespmem:$0x1C800] =	vst v63  }
0x51: {  	_ =	swait.ge [sflag:s11], $0x4000  }
0x52: {  	[sflag:s11] =	ssyncset.done $0x0  }
0x53: {  	[sflag:s11] =	ssyncadd.s32 $0xFFFFC000  }
0x54: {  	_ =	swait.ge [sflag:s19], $0x4000  }
0x55: {  	[sflag:s19] =	ssyncset.done $0x0  }
0x56: {  	[sflag:s19] =	ssyncadd.s32 $0xFFFFC000  }
0x57: {  	[tilespmem:s15], [sflag:$0x1] =	stream.indirect.gather [hbm4b:s1+s14], $0x80, s29, s14, $0xb8;
	[tilespmem:$0x1C800] =	vst v63  }
0x58: {  	_ = 	snop  }
0x59: {  	[spmem:s3] =	stream.indirect.scatter.add.f32 [tilespmem:s18], [sflag:$0x3], $0x80, s30, s14, $0xb8;
	[tilespmem:$0x1C800] =	vst v63  }
0x5a: {  	_ =	swait.ge [sflag:s11], $0x4000  }
0x5b: {  	[sflag:s11] =	ssyncset.done $0x0  }
0x5c: {  	[sflag:s11] =	ssyncadd.s32 $0xFFFFC000  }
0x5d: {  	_ =	swait.ge [sflag:s16], $0x4000  }
0x5e: {  	[sflag:s16] =	ssyncset.done $0x0  }
0x5f: {  	[sflag:s16] =	ssyncadd.s32 $0xFFFFC000  }
0x60: {  	[tilespmem:s18], [sflag:$0x2] =	stream.indirect.gather [hbm4b:s1+s14], $0x80, s31, s14, $0xb8;
	[tilespmem:$0x1C800] =	vst v63  }
0x61: {  	_ = 	snop  }
0x62: {  	[spmem:s3] =	stream.indirect.scatter.add.f32 [tilespmem:s15], [sflag:$0x3], $0x80, s2, s14, $0xb8;
	[tilespmem:$0x1C800] =	vst v63  }
0x63: {  	_ =	swait.ge [sflag:s11], $0x4000  }
0x64: {  	[sflag:s11] =	ssyncset.done $0x0  }
0x65: {  	[sflag:s11] =	ssyncadd.s32 $0xFFFFC000  }
0x66: {  	_ =	swait.ge [sflag:s19], $0x4000  }
0x67: {  	[sflag:s19] =	ssyncset.done $0x0  }
0x68: {  	[sflag:s19] =	ssyncadd.s32 $0xFFFFC000  }
0x69: {  	[spmem:s3] =	stream.indirect.scatter.add.f32 [tilespmem:s18], [sflag:$0x3], $0x80, s0, s14, $0xb8;
	[tilespmem:$0x1C800] =	vst v63  }
0x6a: {  	_ =	swait.ge [sflag:s11], $0x4000  }
0x6b: {  	s7 =	simm.s32 $0x80;
	s8 =	simm.s32 $0x100;
	[sflag:s11] =	ssyncset.done $0x0  }
.LBB2_2:
0x6c: {  	s10 =	sadd.s32 s7, s9;
	[sflag:s11] =	ssyncadd.s32 $0xFFFFC000  }
0x6d: {  	[tilespmem:s12], [sflag:$0x3] =	stream.linear.gather [hbm4b:s10+s4], $0x400, $0x38;
	[tilespmem:$0x1C800] =	vst v63  }
0x6e: {  	s5 =	smov.u32 s8;
	_ =	swait.ge [sflag:s11], $0x400  }
0x6f: {  	s6 =	sadd.s32 $0x80, s8;
	s10 =	rddreg [dreg:$0x4];
	[sflag:s11] =	ssyncset.done $0x0  }
0x70: {  	p0 =	sne.s32 s8, $0x480;
	[sflag:s11] =	ssyncadd.s32 $0xFFFFFC00;
	s8 =	sadd.s32 s7, s10  }
0x71: {  	[tilespmem:s13], [sflag:$0x3] =	stream.linear.gather [hbm4b:s8+s4], $0x400, $0x38;
	[tilespmem:$0x1C800] =	vst v63  }
0x72: {  	_ =	swait.ge [sflag:s11], $0x400  }
0x73: {  	[sflag:s11] =	ssyncset.done $0x0  }
0x74: {  	[sflag:s11] =	ssyncadd.s32 $0xFFFFFC00  }
0x75: {  	[tilespmem:s15], [sflag:$0x1] =	stream.indirect.gather [hbm4b:s1+s14], $0x80, s12, s14, $0xb8;
	[tilespmem:$0x1C800] =	vst v63  }
0x76: {  	_ =	swait.ge [sflag:s16], $0x4000  }
0x77: {  	[sflag:s16] =	ssyncset.done $0x0  }
0x78: {  	[sflag:s16] =	ssyncadd.s32 $0xFFFFC000  }
0x79: {  	[tilespmem:s18], [sflag:$0x2] =	stream.indirect.gather [hbm4b:s1+s14], $0x80, s17, s14, $0xb8;
	[tilespmem:$0x1C800] =	vst v63  }
0x7a: {  	_ = 	snop  }
0x7b: {  	[spmem:s3] =	stream.indirect.scatter.add.f32 [tilespmem:s15], [sflag:$0x3], $0x80, s13, s14, $0xb8;
	[tilespmem:$0x1C800] =	vst v63  }
0x7c: {  	_ =	swait.ge [sflag:s11], $0x4000  }
0x7d: {  	[sflag:s11] =	ssyncset.done $0x0  }
0x7e: {  	[sflag:s11] =	ssyncadd.s32 $0xFFFFC000  }
0x7f: {  	_ =	swait.ge [sflag:s19], $0x4000  }
0x80: {  	[sflag:s19] =	ssyncset.done $0x0  }
0x81: {  	[sflag:s19] =	ssyncadd.s32 $0xFFFFC000  }
0x82: {  	[tilespmem:s15], [sflag:$0x1] =	stream.indirect.gather [hbm4b:s1+s14], $0x80, s20, s14, $0xb8;
	[tilespmem:$0x1C800] =	vst v63  }
0x83: {  	_ = 	snop  }
0x84: {  	[spmem:s3] =	stream.indirect.scatter.add.f32 [tilespmem:s18], [sflag:$0x3], $0x80, s21, s14, $0xb8;
	[tilespmem:$0x1C800] =	vst v63  }
0x85: {  	_ =	swait.ge [sflag:s11], $0x4000  }
0x86: {  	[sflag:s11] =	ssyncset.done $0x0  }
0x87: {  	[sflag:s11] =	ssyncadd.s32 $0xFFFFC000  }
0x88: {  	_ =	swait.ge [sflag:s16], $0x4000  }
0x89: {  	[sflag:s16] =	ssyncset.done $0x0  }
0x8a: {  	[sflag:s16] =	ssyncadd.s32 $0xFFFFC000  }
0x8b: {  	[tilespmem:s18], [sflag:$0x2] =	stream.indirect.gather [hbm4b:s1+s14], $0x80, s22, s14, $0xb8;
	[tilespmem:$0x1C800] =	vst v63  }
0x8c: {  	_ = 	snop  }
0x8d: {  	[spmem:s3] =	stream.indirect.scatter.add.f32 [tilespmem:s15], [sflag:$0x3], $0x80, s23, s14, $0xb8;
	[tilespmem:$0x1C800] =	vst v63  }
0x8e: {  	_ =	swait.ge [sflag:s11], $0x4000  }
0x8f: {  	[sflag:s11] =	ssyncset.done $0x0  }
0x90: {  	[sflag:s11] =	ssyncadd.s32 $0xFFFFC000  }
0x91: {  	_ =	swait.ge [sflag:s19], $0x4000  }
0x92: {  	[sflag:s19] =	ssyncset.done $0x0  }
0x93: {  	[sflag:s19] =	ssyncadd.s32 $0xFFFFC000  }
0x94: {  	[tilespmem:s15], [sflag:$0x1] =	stream.indirect.gather [hbm4b:s1+s14], $0x80, s24, s14, $0xb8;
	[tilespmem:$0x1C800] =	vst v63  }
0x95: {  	_ = 	snop  }
0x96: {  	[spmem:s3] =	stream.indirect.scatter.add.f32 [tilespmem:s18], [sflag:$0x3], $0x80, s25, s14, $0xb8;
	[tilespmem:$0x1C800] =	vst v63  }
0x97: {  	_ =	swait.ge [sflag:s11], $0x4000  }
0x98: {  	[sflag:s11] =	ssyncset.done $0x0  }
0x99: {  	[sflag:s11] =	ssyncadd.s32 $0xFFFFC000  }
0x9a: {  	_ =	swait.ge [sflag:s16], $0x4000  }
0x9b: {  	[sflag:s16] =	ssyncset.done $0x0  }
0x9c: {  	[sflag:s16] =	ssyncadd.s32 $0xFFFFC000  }
0x9d: {  	[tilespmem:s18], [sflag:$0x2] =	stream.indirect.gather [hbm4b:s1+s14], $0x80, s26, s14, $0xb8;
	[tilespmem:$0x1C800] =	vst v63  }
0x9e: {  	_ = 	snop  }
0x9f: {  	[spmem:s3] =	stream.indirect.scatter.add.f32 [tilespmem:s15], [sflag:$0x3], $0x80, s28, s14, $0xb8;
	[tilespmem:$0x1C800] =	vst v63  }
0xa0: {  	_ =	swait.ge [sflag:s11], $0x4000  }
0xa1: {  	[sflag:s11] =	ssyncset.done $0x0  }
0xa2: {  	[sflag:s11] =	ssyncadd.s32 $0xFFFFC000  }
0xa3: {  	_ =	swait.ge [sflag:s19], $0x4000  }
0xa4: {  	[sflag:s19] =	ssyncset.done $0x0  }
0xa5: {  	[sflag:s19] =	ssyncadd.s32 $0xFFFFC000  }
0xa6: {  	[tilespmem:s15], [sflag:$0x1] =	stream.indirect.gather [hbm4b:s1+s14], $0x80, s29, s14, $0xb8;
	[tilespmem:$0x1C800] =	vst v63  }
0xa7: {  	_ = 	snop  }
0xa8: {  	[spmem:s3] =	stream.indirect.scatter.add.f32 [tilespmem:s18], [sflag:$0x3], $0x80, s30, s14, $0xb8;
	[tilespmem:$0x1C800] =	vst v63  }
0xa9: {  	_ =	swait.ge [sflag:s11], $0x4000  }
0xaa: {  	[sflag:s11] =	ssyncset.done $0x0  }
0xab: {  	[sflag:s11] =	ssyncadd.s32 $0xFFFFC000  }
0xac: {  	_ =	swait.ge [sflag:s16], $0x4000  }
0xad: {  	[sflag:s16] =	ssyncset.done $0x0  }
0xae: {  	[sflag:s16] =	ssyncadd.s32 $0xFFFFC000  }
0xaf: {  	[tilespmem:s18], [sflag:$0x2] =	stream.indirect.gather [hbm4b:s1+s14], $0x80, s31, s14, $0xb8;
	[tilespmem:$0x1C800] =	vst v63  }
0xb0: {  	_ = 	snop  }
0xb1: {  	[spmem:s3] =	stream.indirect.scatter.add.f32 [tilespmem:s15], [sflag:$0x3], $0x80, s2, s14, $0xb8;
	[tilespmem:$0x1C800] =	vst v63  }
0xb2: {  	_ =	swait.ge [sflag:s11], $0x4000  }
0xb3: {  	[sflag:s11] =	ssyncset.done $0x0  }
0xb4: {  	[sflag:s11] =	ssyncadd.s32 $0xFFFFC000  }
0xb5: {  	_ =	swait.ge [sflag:s19], $0x4000  }
.Ltmp0:
0xb6: {  	[sflag:s19] =	ssyncset.done $0x0;
	(pc) =	sbr.rel @p0 .LBB2_2-.Ltmp0, $4  }
0xb7: {  	[sflag:s19] =	ssyncadd.s32 $0xFFFFC000  }
0xb8: {  	[spmem:s3] =	stream.indirect.scatter.add.f32 [tilespmem:s18], [sflag:$0x3], $0x80, s0, s14, $0xb8;
	[tilespmem:$0x1C800] =	vst v63  }
0xb9: {  	_ =	swait.ge [sflag:s11], $0x4000  }
0xba: {  	s7 =	smov.u32 s5;
	s8 =	smov.u32 s6;
	[sflag:s11] =	ssyncset.done $0x0  }
0xbb: {  	s5 =	sadd.s32 s7, s9;
	[sflag:s11] =	ssyncadd.s32 $0xFFFFC000  }
0xbc: {  	[tilespmem:s12], [sflag:$0x3] =	stream.linear.gather [hbm4b:s5+s4], $0x400, $0x38;
	[tilespmem:$0x1C800] =	vst v63  }
0xbd: {  	_ =	swait.ge [sflag:s11], $0x400  }
0xbe: {  	s6 =	rddreg [dreg:$0x4];
	[sflag:s11] =	ssyncset.done $0x0  }
0xbf: {  	s5 =	sadd.s32 s7, s6;
	[sflag:s11] =	ssyncadd.s32 $0xFFFFFC00  }
0xc0: {  	[tilespmem:s13], [sflag:$0x3] =	stream.linear.gather [hbm4b:s5+s4], $0x400, $0x38;
	[tilespmem:$0x1C800] =	vst v63  }
0xc1: {  	_ =	swait.ge [sflag:s11], $0x400  }
0xc2: {  	[sflag:s11] =	ssyncset.done $0x0  }
0xc3: {  	[sflag:s11] =	ssyncadd.s32 $0xFFFFFC00  }
0xc4: {  	[tilespmem:s15], [sflag:$0x1] =	stream.indirect.gather [hbm4b:s1+s14], $0x80, s12, s14, $0xb8;
	[tilespmem:$0x1C800] =	vst v63  }
0xc5: {  	_ =	swait.ge [sflag:s16], $0x4000  }
0xc6: {  	[sflag:s16] =	ssyncset.done $0x0  }
0xc7: {  	[sflag:s16] =	ssyncadd.s32 $0xFFFFC000  }
0xc8: {  	[tilespmem:s18], [sflag:$0x2] =	stream.indirect.gather [hbm4b:s1+s14], $0x80, s17, s14, $0xb8;
	[tilespmem:$0x1C800] =	vst v63  }
0xc9: {  	_ = 	snop  }
0xca: {  	[spmem:s3] =	stream.indirect.scatter.add.f32 [tilespmem:s15], [sflag:$0x3], $0x80, s13, s14, $0xb8;
	[tilespmem:$0x1C800] =	vst v63  }
0xcb: {  	_ =	swait.ge [sflag:s11], $0x4000  }
0xcc: {  	[sflag:s11] =	ssyncset.done $0x0  }
0xcd: {  	[sflag:s11] =	ssyncadd.s32 $0xFFFFC000  }
0xce: {  	_ =	swait.ge [sflag:s19], $0x4000  }
0xcf: {  	[sflag:s19] =	ssyncset.done $0x0  }
0xd0: {  	[sflag:s19] =	ssyncadd.s32 $0xFFFFC000  }
0xd1: {  	[tilespmem:s15], [sflag:$0x1] =	stream.indirect.gather [hbm4b:s1+s14], $0x80, s20, s14, $0xb8;
	[tilespmem:$0x1C800] =	vst v63  }
0xd2: {  	_ = 	snop  }
0xd3: {  	[spmem:s3] =	stream.indirect.scatter.add.f32 [tilespmem:s18], [sflag:$0x3], $0x80, s21, s14, $0xb8;
	[tilespmem:$0x1C800] =	vst v63  }
0xd4: {  	_ =	swait.ge [sflag:s11], $0x4000  }
0xd5: {  	[sflag:s11] =	ssyncset.done $0x0  }
0xd6: {  	[sflag:s11] =	ssyncadd.s32 $0xFFFFC000  }
0xd7: {  	_ =	swait.ge [sflag:s16], $0x4000  }
0xd8: {  	[sflag:s16] =	ssyncset.done $0x0  }
0xd9: {  	[sflag:s16] =	ssyncadd.s32 $0xFFFFC000  }
0xda: {  	[tilespmem:s18], [sflag:$0x2] =	stream.indirect.gather [hbm4b:s1+s14], $0x80, s22, s14, $0xb8;
	[tilespmem:$0x1C800] =	vst v63  }
0xdb: {  	_ = 	snop  }
0xdc: {  	[spmem:s3] =	stream.indirect.scatter.add.f32 [tilespmem:s15], [sflag:$0x3], $0x80, s23, s14, $0xb8;
	[tilespmem:$0x1C800] =	vst v63  }
0xdd: {  	_ =	swait.ge [sflag:s11], $0x4000  }
0xde: {  	[sflag:s11] =	ssyncset.done $0x0  }
0xdf: {  	[sflag:s11] =	ssyncadd.s32 $0xFFFFC000  }
0xe0: {  	_ =	swait.ge [sflag:s19], $0x4000  }
0xe1: {  	[sflag:s19] =	ssyncset.done $0x0  }
0xe2: {  	[sflag:s19] =	ssyncadd.s32 $0xFFFFC000  }
0xe3: {  	[tilespmem:s15], [sflag:$0x1] =	stream.indirect.gather [hbm4b:s1+s14], $0x80, s24, s14, $0xb8;
	[tilespmem:$0x1C800] =	vst v63  }
0xe4: {  	_ = 	snop  }
0xe5: {  	[spmem:s3] =	stream.indirect.scatter.add.f32 [tilespmem:s18], [sflag:$0x3], $0x80, s25, s14, $0xb8;
	[tilespmem:$0x1C800] =	vst v63  }
0xe6: {  	_ =	swait.ge [sflag:s11], $0x4000  }
0xe7: {  	[sflag:s11] =	ssyncset.done $0x0  }
0xe8: {  	[sflag:s11] =	ssyncadd.s32 $0xFFFFC000  }
0xe9: {  	_ =	swait.ge [sflag:s16], $0x4000  }
0xea: {  	[sflag:s16] =	ssyncset.done $0x0  }
0xeb: {  	[sflag:s16] =	ssyncadd.s32 $0xFFFFC000  }
0xec: {  	[tilespmem:s18], [sflag:$0x2] =	stream.indirect.gather [hbm4b:s1+s14], $0x80, s26, s14, $0xb8;
	[tilespmem:$0x1C800] =	vst v63  }
0xed: {  	_ = 	snop  }
0xee: {  	[spmem:s3] =	stream.indirect.scatter.add.f32 [tilespmem:s15], [sflag:$0x3], $0x80, s28, s14, $0xb8;
	[tilespmem:$0x1C800] =	vst v63  }
0xef: {  	_ =	swait.ge [sflag:s11], $0x4000  }
0xf0: {  	[sflag:s11] =	ssyncset.done $0x0  }
0xf1: {  	[sflag:s11] =	ssyncadd.s32 $0xFFFFC000  }
0xf2: {  	_ =	swait.ge [sflag:s19], $0x4000  }
0xf3: {  	[sflag:s19] =	ssyncset.done $0x0  }
0xf4: {  	[sflag:s19] =	ssyncadd.s32 $0xFFFFC000  }
0xf5: {  	[tilespmem:s15], [sflag:$0x1] =	stream.indirect.gather [hbm4b:s1+s14], $0x80, s29, s14, $0xb8;
	[tilespmem:$0x1C800] =	vst v63  }
0xf6: {  	_ = 	snop  }
0xf7: {  	[spmem:s3] =	stream.indirect.scatter.add.f32 [tilespmem:s18], [sflag:$0x3], $0x80, s30, s14, $0xb8;
	[tilespmem:$0x1C800] =	vst v63  }
0xf8: {  	_ =	swait.ge [sflag:s11], $0x4000  }
0xf9: {  	[sflag:s11] =	ssyncset.done $0x0  }
0xfa: {  	[sflag:s11] =	ssyncadd.s32 $0xFFFFC000  }
0xfb: {  	_ =	swait.ge [sflag:s16], $0x4000  }
0xfc: {  	[sflag:s16] =	ssyncset.done $0x0  }
0xfd: {  	[sflag:s16] =	ssyncadd.s32 $0xFFFFC000  }
0xfe: {  	[tilespmem:s18], [sflag:$0x2] =	stream.indirect.gather [hbm4b:s1+s14], $0x80, s31, s14, $0xb8;
	[tilespmem:$0x1C800] =	vst v63  }
0xff: {  	_ = 	snop  }
0x100: {  	[spmem:s3] =	stream.indirect.scatter.add.f32 [tilespmem:s15], [sflag:$0x3], $0x80, s2, s14, $0xb8;
	[tilespmem:$0x1C800] =	vst v63  }
0x101: {  	_ =	swait.ge [sflag:s11], $0x4000  }
0x102: {  	[sflag:s11] =	ssyncset.done $0x0  }
0x103: {  	[sflag:s11] =	ssyncadd.s32 $0xFFFFC000  }
0x104: {  	_ =	swait.ge [sflag:s19], $0x4000  }
0x105: {  	[sflag:s19] =	ssyncset.done $0x0  }
0x106: {  	[sflag:s19] =	ssyncadd.s32 $0xFFFFC000  }
0x107: {  	[spmem:s3] =	stream.indirect.scatter.add.f32 [tilespmem:s18], [sflag:$0x3], $0x80, s0, s14, $0xb8;
	[tilespmem:$0x1C800] =	vst v63  }
0x108: {  	_ =	swait.ge [sflag:s11], $0x4000  }
0x109: {  	[sflag:s11] =	ssyncset.done $0x0  }
0x10a: {  	[sflag:s11] =	ssyncadd.s32 $0xFFFFC000  }
0x10b: {  	[bflag:$0x0] =	sbarrier.arrive $0xFFFF  }
0x10c: {  	s7 =	rddreg [dreg:$0x6]  }
0x10d: {  	s8 =	rddreg [dreg:$0x7]  }
0x10e: {  	s6 =	rddreg [dreg:$0x9]  }
0x10f: {  	[hbm:s8], [sflag:s7] =	dma.local [spmem:s6], $0x2800  }
0x110: {  	_ =	swait.ge [sflag:s11], $0x2800  }
0x111: {  	s8 =	rddreg [dreg:$0xa]  }
0x112: {  	s10 =	rddreg [dreg:$0x8];
	s8 =	sadd.s32 $0x1, s8  }
0x113: {  	p0 =	sne.s32 s8, s10  }
.Ltmp1:
0x114: {  	_ = 	snop;
	(pc) =	sbr.rel @p0 .LBB2_1-.Ltmp1, $3  }
0x115: {  	_ =	sdelay $0x1  }
0x116: {  	[sflag:s11] =	ssyncset.done $0x0  }
0x117: {  	[sflag:s11] =	ssyncadd.s32 $0xFFFFD800  }
0x118: {  	_ =	sfence.sel $0x180000  }
0x119: {  	[bflag:$0x0] =	sbarrier.arrive $0xFFFF  }
0x11a: {  	_ =	strace $0x9000004A  }
0x11b: {  	s0 =	stileid.u32;
	[bflag:$0x2] =	sbarrier.arrive $0xFFFF  }
0x11c: {  	p0 =	sne.s32 s0, $0x0;
	s0 =	rddreg [dreg:$0x3]  }
0x11d: {  	s0 =	sadd.s32 @!p0 $0x100000, s0  }
0x11e: {  	[sflag:s0] =	ssyncadd.tile.s32 @!p0 $0x1;
	_ =	shalt  }
.Lfunc_end2:
_tile_overlayer_lowered:
.L_overlay_start_2:
0x11f: {  	(tag) =	ssettag $0x2  }
0x120: {  	s0 =	rddreg [dreg:$0x0];
	s2 =	stileid.u32  }
0x121: {  	s1 =	rddreg [dreg:$0x1];
	p0 =	sne.s32 s2, $0x0  }
0x122: {  	s3 =	rddreg [dreg:$0x2];
	[bflag:$0x3] =	sbarrier.arrive $0xFFFF;
	s2 =	simm.s32 @!p0 $0x1C03  }
0x123: {  	[timem:s3], [sflag:s2] =	dma.local @!p0 [hbm:s0], s1  }
0x124: {  	s0 =	simm.s32 @!p0 $0x3  }
0x125: {  	_ =	swait.ge @!p0 [sflag:s0], s1  }
0x126: {  	s1 =	ssub.s32 @!p0 $0x0, s1;
	[sflag:s0] =	ssyncset.done @!p0 $0x0  }
0x127: {  	[sflag:s0] =	ssyncadd.s32 @!p0 s1  }
0x128: {  	[bflag:$0x3] =	sbarrier.arrive $0xFFFF  }
0x129: {  	_ =	shalt  }

</sc_bundles>
